<compile_context>
chip_gen: v7x
topology: tpu7x:2x2x1
jax: 0.10.2.dev20260603
libtpu: 0.0.44.dev20260713+nightly
codegen_flags: <defaults>
</compile_context>

<pallas_src>
import functools

import jax
import jax.numpy as jnp
from jax import lax
from jax.experimental import pallas as pl
from jax.experimental.pallas import tpu as pltpu
from jax.experimental.pallas import tpu_sc as plsc

_N = 10000
_E = 320000
_D = 128
_NP = 10240
_NC = 2
_NS = 16
_NW = _NC * _NS
_EPW = _E // _NW
_K = 40
_NCHUNK = _EPW // _K
_RPT = _NP // _NS


def _sc_agg_body(want_deg, *refs):
    if want_deg:
        (h_hbm, src_hbm, dst_hbm, z2_hbm, z1_hbm, ones_hbm, agg_hbm, deg_hbm,
         srcb, dstb, rows0, rows1, rows2, rows3, rows4, ones,
         sh_agg, sh_deg,
         gsem0, gsem1, gsem2, gsem3, gsem4,
         ssem0, ssem1, ssem2, ssem3, ssem4, osem) = refs
    else:
        (h_hbm, src_hbm, dst_hbm, z2_hbm, z1_hbm, ones_hbm, agg_hbm,
         srcb, dstb, rows0, rows1, rows2, rows3, rows4, ones,
         sh_agg, sh_deg,
         gsem0, gsem1, gsem2, gsem3, gsem4,
         ssem0, ssem1, ssem2, ssem3, ssem4, osem) = refs
    c = lax.axis_index("c")
    s = lax.axis_index("s")
    wid = s * _NC + c

    row0 = s * _RPT
    pltpu.async_copy(src_hbm.at[pl.ds(wid * _EPW, _EPW)], srcb, gsem0)
    pltpu.async_copy(dst_hbm.at[pl.ds(wid * _EPW, _EPW)], dstb, gsem0)
    pltpu.async_copy(z2_hbm.at[pl.ds(row0, _RPT)],
                     sh_agg.at[pl.ds(row0, _RPT)], ssem0)
    if want_deg:
        pltpu.async_copy(ones_hbm.at[pl.ds(wid * _K, _K)], ones, ssem1)
        pltpu.async_copy(z1_hbm.at[pl.ds(row0, _RPT)],
                         sh_deg.at[pl.ds(row0, _RPT)], ssem1)
    pltpu.make_async_copy(src_hbm.at[pl.ds(wid * _EPW, _EPW)], srcb, gsem0).wait()
    pltpu.make_async_copy(dst_hbm.at[pl.ds(wid * _EPW, _EPW)], dstb, gsem0).wait()
    pltpu.async_copy(h_hbm.at[srcb.at[pl.ds(0 * _K, _K)]], rows0, gsem0)
    pltpu.async_copy(h_hbm.at[srcb.at[pl.ds(1 * _K, _K)]], rows1, gsem1)
    pltpu.async_copy(h_hbm.at[srcb.at[pl.ds(2 * _K, _K)]], rows2, gsem2)
    pltpu.make_async_copy(z2_hbm.at[pl.ds(row0, _RPT)],
                          sh_agg.at[pl.ds(row0, _RPT)], ssem0).wait()
    if want_deg:
        pltpu.make_async_copy(ones_hbm.at[pl.ds(wid * _K, _K)], ones,
                              ssem1).wait()
        pltpu.make_async_copy(z1_hbm.at[pl.ds(row0, _RPT)],
                              sh_deg.at[pl.ds(row0, _RPT)], ssem1).wait()
    plsc.subcore_barrier()

    rows = (rows0, rows1, rows2, rows3, rows4)
    gsems = (gsem0, gsem1, gsem2, gsem3, gsem4)
    ssems = (ssem0, ssem1, ssem2, ssem3, ssem4)

    def _sidx(g):
        return srcb.at[pl.ds(g * _K, _K)]

    def _didx(g):
        return dstb.at[pl.ds(g * _K, _K)]

    def _gather(g, b):
        pltpu.async_copy(h_hbm.at[_sidx(g)], rows[b], gsems[b])

    def _wait_gather(g, b):
        pltpu.make_async_copy(h_hbm.at[_sidx(g)], rows[b], gsems[b]).wait()

    def _scatter(g, b):
        pltpu.async_copy(rows[b], sh_agg.at[_didx(g)], ssems[b], add=True)
        if want_deg:
            pltpu.async_copy(ones, sh_deg.at[_didx(g)], osem, add=True)

    def _wait_deg(g):
        if want_deg:
            pltpu.make_async_copy(ones, sh_deg.at[_didx(g)], osem).wait()

    def _wait_scatter(g, b):
        pltpu.make_async_copy(rows[b], sh_agg.at[_didx(g)], ssems[b]).wait()

    def _run():
        def body(j, carry):
            for b in range(5):
                g = j * 5 + b
                b3 = (b + 3) % 5
                @pl.when(g >= 2)
                def _():
                    _wait_scatter(g - 2, b3)
                    _wait_deg(g - 2)
                @pl.when(g + 3 <= _NCHUNK - 1)
                def _():
                    _gather(g + 3, b3)
                _wait_gather(g, b)
                _scatter(g, b)
            return carry
        lax.fori_loop(0, _NCHUNK // 5, body, 0)
        for t in range(2):
            g = _NCHUNK - 2 + t
            _wait_scatter(g, g % 5)
            _wait_deg(g)

    _run()
    plsc.subcore_barrier()

    pltpu.async_copy(sh_agg.at[pl.ds(row0, _RPT)], agg_hbm.at[c, pl.ds(row0, _RPT)],
                     gsem0)
    if want_deg:
        pltpu.async_copy(sh_deg.at[pl.ds(row0, _RPT)],
                         deg_hbm.at[c, pl.ds(row0, _RPT)], gsem1)
    pltpu.make_async_copy(sh_agg.at[pl.ds(row0, _RPT)],
                          agg_hbm.at[c, pl.ds(row0, _RPT)], gsem0).wait()
    if want_deg:
        pltpu.make_async_copy(sh_deg.at[pl.ds(row0, _RPT)],
                              deg_hbm.at[c, pl.ds(row0, _RPT)], gsem1).wait()


def _make_sc_agg(want_deg):
    body = functools.partial(_sc_agg_body, want_deg)
    out_type = (jax.ShapeDtypeStruct((_NC, _NP, _D), jnp.float32),
                jax.ShapeDtypeStruct((_NC, _NP), jnp.float32))
    if not want_deg:
        out_type = out_type[0]
    return functools.partial(
        pl.kernel,
        out_type=out_type,
        mesh=plsc.VectorSubcoreMesh(core_axis_name="c", subcore_axis_name="s"),
        scratch_types=[
            pltpu.VMEM((_EPW,), jnp.int32),
            pltpu.VMEM((_EPW,), jnp.int32),
            pltpu.VMEM((_K, _D), jnp.float32),
            pltpu.VMEM((_K, _D), jnp.float32),
            pltpu.VMEM((_K, _D), jnp.float32),
            pltpu.VMEM((_K, _D), jnp.float32),
            pltpu.VMEM((_K, _D), jnp.float32),
            pltpu.VMEM((_K,), jnp.float32),
            pltpu.VMEM_SHARED((_NP, _D), jnp.float32),
            pltpu.VMEM_SHARED((_NP,), jnp.float32),
        ] + [pltpu.SemaphoreType.DMA] * 11,
    )(body)


_sc_agg = _make_sc_agg(True)
_sc_agg_nodeg = _make_sc_agg(False)


_BN = 1000


def _tc_mid(x, agg, deg3, Ws1, Wn1, b1, Ws2, b2):
    def body(x_ref, a0_ref, a1_ref, d0_ref, d1_ref, Ws1_ref, Wn1_ref,
             b1_ref, Ws2_ref, b2_ref, h1_ref, t2_ref):
        deg = jnp.maximum(d0_ref[0] + d1_ref[0], 1.0)
        hn = (a0_ref[0] + a1_ref[0]) / deg
        h1 = (jnp.dot(x_ref[...], Ws1_ref[...],
                      preferred_element_type=jnp.float32)
              + jnp.dot(hn, Wn1_ref[...], preferred_element_type=jnp.float32)
              + b1_ref[...])
        h1 = jnp.maximum(h1, 0.0)
        h1_ref[...] = h1
        t2_ref[...] = (jnp.dot(h1, Ws2_ref[...],
                               preferred_element_type=jnp.float32)
                       + b2_ref[...])

    return pl.pallas_call(
        body,
        grid=(_N // _BN,),
        in_specs=[
            pl.BlockSpec((_BN, _D), lambda i: (i, 0)),
            pl.BlockSpec((1, _BN, _D), lambda i: (0, i, 0)),
            pl.BlockSpec((1, _BN, _D), lambda i: (1, i, 0)),
            pl.BlockSpec((1, _BN, 1), lambda i: (0, i, 0)),
            pl.BlockSpec((1, _BN, 1), lambda i: (1, i, 0)),
            pl.BlockSpec((_D, _D), lambda i: (0, 0)),
            pl.BlockSpec((_D, _D), lambda i: (0, 0)),
            pl.BlockSpec((1, _D), lambda i: (0, 0)),
            pl.BlockSpec((_D, _D), lambda i: (0, 0)),
            pl.BlockSpec((1, _D), lambda i: (0, 0)),
        ],
        out_specs=[pl.BlockSpec((_BN, _D), lambda i: (i, 0)),
                   pl.BlockSpec((_BN, _D), lambda i: (i, 0))],
        out_shape=[jax.ShapeDtypeStruct((_N, _D), jnp.float32),
                   jax.ShapeDtypeStruct((_N, _D), jnp.float32)],
    )(x, agg, agg, deg3, deg3, Ws1, Wn1, b1, Ws2, b2)


def _tc_final(t2, agg, deg3, Wn2):
    def body(t_ref, a0_ref, a1_ref, d0_ref, d1_ref, Wn_ref, o_ref):
        deg = jnp.maximum(d0_ref[0] + d1_ref[0], 1.0)
        hn = (a0_ref[0] + a1_ref[0]) / deg
        o_ref[...] = t_ref[...] + jnp.dot(hn, Wn_ref[...],
                                          preferred_element_type=jnp.float32)

    return pl.pallas_call(
        body,
        grid=(_N // _BN,),
        in_specs=[
            pl.BlockSpec((_BN, _D), lambda i: (i, 0)),
            pl.BlockSpec((1, _BN, _D), lambda i: (0, i, 0)),
            pl.BlockSpec((1, _BN, _D), lambda i: (1, i, 0)),
            pl.BlockSpec((1, _BN, 1), lambda i: (0, i, 0)),
            pl.BlockSpec((1, _BN, 1), lambda i: (1, i, 0)),
            pl.BlockSpec((_D, _D), lambda i: (0, 0)),
        ],
        out_specs=pl.BlockSpec((_BN, _D), lambda i: (i, 0)),
        out_shape=jax.ShapeDtypeStruct((_N, _D), jnp.float32),
    )(t2, agg, agg, deg3, deg3, Wn2)


def kernel(x, edge_index, Ws1, Wn1, b1, Ws2, Wn2, b2):
    src = edge_index[0]
    dst = edge_index[1]
    z2 = jnp.zeros((_NP, _D), jnp.float32)
    z1 = jnp.zeros((_NP,), jnp.float32)
    onesv = jnp.ones((_NW * _K,), jnp.float32)
    agg1, deg = _sc_agg(x, src, dst, z2, z1, onesv)
    deg3 = deg[:, :, None]
    h1, t2 = _tc_mid(x, agg1, deg3, Ws1, Wn1, b1.reshape(1, _D),
                     Ws2, b2.reshape(1, _D))
    agg2 = _sc_agg_nodeg(h1, src, dst, z2, z1, onesv)
    return _tc_final(t2, agg2, deg3, Wn2)

# --- scband reference (transcript-rebuilt; emitter-appended) ---
"""Pipeline reference for scband-sage-44478681318220 (READ-ONLY COPY).

The authoritative reference and input builder live on the scoring server;
editing this copy changes nothing except your own understanding.
"""

import jax, jax.numpy as jnp
import numpy as np

N = 10000
E = 320000
D = 128
H = 128
C = 128


def setup_inputs(seed: int = 0) -> dict:
    key = jax.random.key(seed)
    ks = jax.random.split(key, 9)
    x = jax.random.normal(ks[0], (N, D), dtype=jnp.float32)
    edge_index = jax.random.randint(ks[1], (2, E), 0, N, dtype=jnp.int32)
    s1 = 1.0 / np.sqrt(D)
    s2 = 1.0 / np.sqrt(H)
    Ws1 = jax.random.normal(ks[2], (D, H), dtype=jnp.float32) * s1
    Wn1 = jax.random.normal(ks[3], (D, H), dtype=jnp.float32) * s1
    b1 = jnp.zeros((H,), dtype=jnp.float32)
    Ws2 = jax.random.normal(ks[4], (H, C), dtype=jnp.float32) * s2
    Wn2 = jax.random.normal(ks[5], (H, C), dtype=jnp.float32) * s2
    b2 = jnp.zeros((C,), dtype=jnp.float32)
    return {"x": x, "edge_index": edge_index, "Ws1": Ws1, "Wn1": Wn1, "b1": b1,
            "Ws2": Ws2, "Wn2": Wn2, "b2": b2}


def _sage_layer(h, src, dst, Ws, Wn, b):
    # DGL SAGEConv with 'mean' aggregation:
    #   h_neigh = mean_{(u->v) in E} h_u ; out = h @ Ws + h_neigh @ Wn + b
    msgs = h[src]  # gather over edges
    agg = jax.ops.segment_sum(msgs, dst, num_segments=N)
    deg = jax.ops.segment_sum(jnp.ones((src.shape[0],), h.dtype), dst, num_segments=N)
    h_neigh = agg / jnp.clip(deg, 1.0, None)[:, None]
    return h @ Ws + h_neigh @ Wn + b


def reference(x, edge_index, Ws1, Wn1, b1, Ws2, Wn2, b2):
    src = edge_index[0]
    dst = edge_index[1]
    h = _sage_layer(x, src, dst, Ws1, Wn1, b1)
    h = jax.nn.relu(h)
    h = _sage_layer(h, src, dst, Ws2, Wn2, b2)
    return h

if __name__ == "__main__":
    import jax
    _d = setup_inputs()
    print(jax.jit(kernel)(*tuple(_d.values())))

</pallas_src>

<mosaic_0001>
#map = affine_map<(d0, d1) -> (0, 0)>
#map1 = affine_map<(d0, d1) -> (0)>
#map2 = affine_map<(d0, d1) -> (0, 0, 0)>
module attributes {stable_mosaic.version = 14 : i64} {
  func.func @_sc_agg_body(%arg0: i32, %arg1: i32, %arg2: memref<10000x128xf32, #tpu.memory_space<hbm>>, %arg3: memref<320000xi32, #tpu.memory_space<hbm>>, %arg4: memref<320000xi32, #tpu.memory_space<hbm>>, %arg5: memref<10240x128xf32, #tpu.memory_space<hbm>>, %arg6: memref<10240xf32, #tpu.memory_space<hbm>>, %arg7: memref<1280xf32, #tpu.memory_space<hbm>>, %arg8: memref<2x10240x128xf32, #tpu.memory_space<hbm>>, %arg9: memref<2x10240xf32, #tpu.memory_space<hbm>>, %arg10: memref<10000xi32, #tpu.memory_space<vmem>>, %arg11: memref<10000xi32, #tpu.memory_space<vmem>>, %arg12: memref<40x128xf32, #tpu.memory_space<vmem>>, %arg13: memref<40x128xf32, #tpu.memory_space<vmem>>, %arg14: memref<40x128xf32, #tpu.memory_space<vmem>>, %arg15: memref<40x128xf32, #tpu.memory_space<vmem>>, %arg16: memref<40x128xf32, #tpu.memory_space<vmem>>, %arg17: memref<40xf32, #tpu.memory_space<vmem>>, %arg18: memref<10240x128xf32, #tpu.memory_space<vmem_shared>>, %arg19: memref<10240xf32, #tpu.memory_space<vmem_shared>>, %arg20: memref<!tpu.dma_semaphore, #tpu.memory_space<semaphore_mem>>, %arg21: memref<!tpu.dma_semaphore, #tpu.memory_space<semaphore_mem>>, %arg22: memref<!tpu.dma_semaphore, #tpu.memory_space<semaphore_mem>>, %arg23: memref<!tpu.dma_semaphore, #tpu.memory_space<semaphore_mem>>, %arg24: memref<!tpu.dma_semaphore, #tpu.memory_space<semaphore_mem>>, %arg25: memref<!tpu.dma_semaphore, #tpu.memory_space<semaphore_mem>>, %arg26: memref<!tpu.dma_semaphore, #tpu.memory_space<semaphore_mem>>, %arg27: memref<!tpu.dma_semaphore, #tpu.memory_space<semaphore_mem>>, %arg28: memref<!tpu.dma_semaphore, #tpu.memory_space<semaphore_mem>>, %arg29: memref<!tpu.dma_semaphore, #tpu.memory_space<semaphore_mem>>, %arg30: memref<!tpu.dma_semaphore, #tpu.memory_space<semaphore_mem>>) attributes {dimension_semantics = [#tpu.dimension_semantics<core_parallel>, #tpu.dimension_semantics<subcore_parallel>], iteration_bounds = array<i64: 2, 16>, scalar_prefetch = 0 : i64, scratch_operands = 21 : i64, tpu.core_type = #tpu.core_type<sc_vector_subcore>, window_params = [{transform_indices = #map}, {transform_indices = #map1}, {transform_indices = #map1}, {transform_indices = #map}, {transform_indices = #map1}, {transform_indices = #map1}, {transform_indices = #map2}, {transform_indices = #map}]} {
    %mul3A = arith.constant 2 : i32
    %mul3A_0 = arith.muli %arg1, %mul3A : i32
    %add3A = arith.addi %mul3A_0, %arg0 : i32
    %mul3A_1 = arith.constant 640 : i32
    %mul3A_2 = arith.muli %arg1, %mul3A_1 : i32
    %mul3A_3 = arith.constant 10000 : i32
    %mul3A_4 = arith.muli %add3A, %mul3A_3 : i32
    %dma_start3A = tpu.memref_slice %arg3[%mul3A_4] : memref<320000xi32, #tpu.memory_space<hbm>> -> memref<10000xi32, #tpu.memory_space<hbm>>
    %dma_start3A_5 = tpu.memref_slice %arg3[%mul3A_4] : memref<320000xi32, #tpu.memory_space<hbm>> -> memref<10000xi32, #tpu.memory_space<hbm>>
    tpu.enqueue_dma source(%dma_start3A_5 : memref<10000xi32, #tpu.memory_space<hbm>>) target(%arg10 : memref<10000xi32, #tpu.memory_space<vmem>>) target_semaphore(%arg20 : memref<!tpu.dma_semaphore, #tpu.memory_space<semaphore_mem>>)
    %mul3A_6 = arith.constant 10000 : i32
    %mul3A_7 = arith.muli %add3A, %mul3A_6 : i32
    %dma_start3A_8 = tpu.memref_slice %arg4[%mul3A_7] : memref<320000xi32, #tpu.memory_space<hbm>> -> memref<10000xi32, #tpu.memory_space<hbm>>
    %dma_start3A_9 = tpu.memref_slice %arg4[%mul3A_7] : memref<320000xi32, #tpu.memory_space<hbm>> -> memref<10000xi32, #tpu.memory_space<hbm>>
    tpu.enqueue_dma source(%dma_start3A_9 : memref<10000xi32, #tpu.memory_space<hbm>>) target(%arg11 : memref<10000xi32, #tpu.memory_space<vmem>>) target_semaphore(%arg20 : memref<!tpu.dma_semaphore, #tpu.memory_space<semaphore_mem>>)
    %dma_start3A_10 = arith.constant 0 : i32
    %dma_start3A_11 = tpu.memref_slice %arg18[%mul3A_2, %dma_start3A_10] : memref<10240x128xf32, #tpu.memory_space<vmem_shared>> -> memref<640x128xf32, #tpu.memory_space<vmem_shared>>
    %dma_start3A_12 = arith.constant 0 : i32
    %dma_start3A_13 = tpu.memref_slice %arg5[%mul3A_2, %dma_start3A_12] : memref<10240x128xf32, #tpu.memory_space<hbm>> -> memref<640x128xf32, #tpu.memory_space<hbm>>
    tpu.enqueue_dma source(%dma_start3A_13 : memref<640x128xf32, #tpu.memory_space<hbm>>) target(%dma_start3A_11 : memref<640x128xf32, #tpu.memory_space<vmem_shared>>) target_semaphore(%arg25 : memref<!tpu.dma_semaphore, #tpu.memory_space<semaphore_mem>>)
    %mul3A_14 = arith.constant 40 : i32
    %mul3A_15 = arith.muli %add3A, %mul3A_14 : i32
    %dma_start3A_16 = tpu.memref_slice %arg7[%mul3A_15] : memref<1280xf32, #tpu.memory_space<hbm>> -> memref<40xf32, #tpu.memory_space<hbm>>
    %dma_start3A_17 = tpu.memref_slice %arg7[%mul3A_15] : memref<1280xf32, #tpu.memory_space<hbm>> -> memref<40xf32, #tpu.memory_space<hbm>>
    tpu.enqueue_dma source(%dma_start3A_17 : memref<40xf32, #tpu.memory_space<hbm>>) target(%arg17 : memref<40xf32, #tpu.memory_space<vmem>>) target_semaphore(%arg26 : memref<!tpu.dma_semaphore, #tpu.memory_space<semaphore_mem>>)
    %dma_start3A_18 = tpu.memref_slice %arg19[%mul3A_2] : memref<10240xf32, #tpu.memory_space<vmem_shared>> -> memref<640xf32, #tpu.memory_space<vmem_shared>>
    %dma_start3A_19 = tpu.memref_slice %arg6[%mul3A_2] : memref<10240xf32, #tpu.memory_space<hbm>> -> memref<640xf32, #tpu.memory_space<hbm>>
    tpu.enqueue_dma source(%dma_start3A_19 : memref<640xf32, #tpu.memory_space<hbm>>) target(%dma_start3A_18 : memref<640xf32, #tpu.memory_space<vmem_shared>>) target_semaphore(%arg26 : memref<!tpu.dma_semaphore, #tpu.memory_space<semaphore_mem>>)
    %mul3A_20 = arith.constant 10000 : i32
    %mul3A_21 = arith.muli %add3A, %mul3A_20 : i32
    %dma_wait3A = tpu.memref_slice %arg3[%mul3A_21] : memref<320000xi32, #tpu.memory_space<hbm>> -> memref<10000xi32, #tpu.memory_space<hbm>>
    %dma_wait3A_22 = tpu.memref_slice %arg3[%mul3A_21] : memref<320000xi32, #tpu.memory_space<hbm>> -> memref<10000xi32, #tpu.memory_space<hbm>>
    tpu.wait_dma2 semaphore(%arg20 : memref<!tpu.dma_semaphore, #tpu.memory_space<semaphore_mem>>) src(%dma_wait3A_22 : memref<10000xi32, #tpu.memory_space<hbm>>) dst(%arg10 : memref<10000xi32, #tpu.memory_space<vmem>>)
    %mul3A_23 = arith.constant 10000 : i32
    %mul3A_24 = arith.muli %add3A, %mul3A_23 : i32
    %dma_wait3A_25 = tpu.memref_slice %arg4[%mul3A_24] : memref<320000xi32, #tpu.memory_space<hbm>> -> memref<10000xi32, #tpu.memory_space<hbm>>
    %dma_wait3A_26 = tpu.memref_slice %arg4[%mul3A_24] : memref<320000xi32, #tpu.memory_space<hbm>> -> memref<10000xi32, #tpu.memory_space<hbm>>
    tpu.wait_dma2 semaphore(%arg20 : memref<!tpu.dma_semaphore, #tpu.memory_space<semaphore_mem>>) src(%dma_wait3A_26 : memref<10000xi32, #tpu.memory_space<hbm>>) dst(%arg11 : memref<10000xi32, #tpu.memory_space<vmem>>)
    %dma_start3A_27 = arith.constant 0 : i32
    %dma_start3A_28 = tpu.memref_slice %arg10[%dma_start3A_27] : memref<10000xi32, #tpu.memory_space<vmem>> -> memref<40xi32, #tpu.memory_space<vmem>>
    %dma_start3A_29 = arith.constant 0 : i32
    %dma_start3A_30 = arith.constant 0 : i32
    %dma_start3A_31 = tpu.memref_slice %arg2[%dma_start3A_29, %dma_start3A_30] : memref<10000x128xf32, #tpu.memory_space<hbm>> -> memref<10000x128xf32, #tpu.memory_space<hbm>>
    tpu.enqueue_indirect_dma source(%dma_start3A_31 : memref<10000x128xf32, #tpu.memory_space<hbm>>) target(%arg12 : memref<40x128xf32, #tpu.memory_space<vmem>>) offsets(%dma_start3A_28 : memref<40xi32, #tpu.memory_space<vmem>>) semaphore(%arg20 : memref<!tpu.dma_semaphore, #tpu.memory_space<semaphore_mem>>)
    %dma_start3A_32 = arith.constant 40 : i32
    %dma_start3A_33 = tpu.memref_slice %arg10[%dma_start3A_32] : memref<10000xi32, #tpu.memory_space<vmem>> -> memref<40xi32, #tpu.memory_space<vmem>>
    %dma_start3A_34 = arith.constant 0 : i32
    %dma_start3A_35 = arith.constant 0 : i32
    %dma_start3A_36 = tpu.memref_slice %arg2[%dma_start3A_34, %dma_start3A_35] : memref<10000x128xf32, #tpu.memory_space<hbm>> -> memref<10000x128xf32, #tpu.memory_space<hbm>>
    tpu.enqueue_indirect_dma source(%dma_start3A_36 : memref<10000x128xf32, #tpu.memory_space<hbm>>) target(%arg13 : memref<40x128xf32, #tpu.memory_space<vmem>>) offsets(%dma_start3A_33 : memref<40xi32, #tpu.memory_space<vmem>>) semaphore(%arg21 : memref<!tpu.dma_semaphore, #tpu.memory_space<semaphore_mem>>)
    %dma_start3A_37 = arith.constant 80 : i32
    %dma_start3A_38 = tpu.memref_slice %arg10[%dma_start3A_37] : memref<10000xi32, #tpu.memory_space<vmem>> -> memref<40xi32, #tpu.memory_space<vmem>>
    %dma_start3A_39 = arith.constant 0 : i32
    %dma_start3A_40 = arith.constant 0 : i32
    %dma_start3A_41 = tpu.memref_slice %arg2[%dma_start3A_39, %dma_start3A_40] : memref<10000x128xf32, #tpu.memory_space<hbm>> -> memref<10000x128xf32, #tpu.memory_space<hbm>>
    tpu.enqueue_indirect_dma source(%dma_start3A_41 : memref<10000x128xf32, #tpu.memory_space<hbm>>) target(%arg14 : memref<40x128xf32, #tpu.memory_space<vmem>>) offsets(%dma_start3A_38 : memref<40xi32, #tpu.memory_space<vmem>>) semaphore(%arg22 : memref<!tpu.dma_semaphore, #tpu.memory_space<semaphore_mem>>)
    %dma_wait3A_42 = arith.constant 0 : i32
    %dma_wait3A_43 = tpu.memref_slice %arg18[%mul3A_2, %dma_wait3A_42] : memref<10240x128xf32, #tpu.memory_space<vmem_shared>> -> memref<640x128xf32, #tpu.memory_space<vmem_shared>>
    %dma_wait3A_44 = arith.constant 0 : i32
    %dma_wait3A_45 = tpu.memref_slice %arg5[%mul3A_2, %dma_wait3A_44] : memref<10240x128xf32, #tpu.memory_space<hbm>> -> memref<640x128xf32, #tpu.memory_space<hbm>>
    tpu.wait_dma2 semaphore(%arg25 : memref<!tpu.dma_semaphore, #tpu.memory_space<semaphore_mem>>) src(%dma_wait3A_45 : memref<640x128xf32, #tpu.memory_space<hbm>>) dst(%dma_wait3A_43 : memref<640x128xf32, #tpu.memory_space<vmem_shared>>)
    %mul3A_46 = arith.constant 40 : i32
    %mul3A_47 = arith.muli %add3A, %mul3A_46 : i32
    %dma_wait3A_48 = tpu.memref_slice %arg7[%mul3A_47] : memref<1280xf32, #tpu.memory_space<hbm>> -> memref<40xf32, #tpu.memory_space<hbm>>
    %dma_wait3A_49 = tpu.memref_slice %arg7[%mul3A_47] : memref<1280xf32, #tpu.memory_space<hbm>> -> memref<40xf32, #tpu.memory_space<hbm>>
    tpu.wait_dma2 semaphore(%arg26 : memref<!tpu.dma_semaphore, #tpu.memory_space<semaphore_mem>>) src(%dma_wait3A_49 : memref<40xf32, #tpu.memory_space<hbm>>) dst(%arg17 : memref<40xf32, #tpu.memory_space<vmem>>)
    %dma_wait3A_50 = tpu.memref_slice %arg19[%mul3A_2] : memref<10240xf32, #tpu.memory_space<vmem_shared>> -> memref<640xf32, #tpu.memory_space<vmem_shared>>
    %dma_wait3A_51 = tpu.memref_slice %arg6[%mul3A_2] : memref<10240xf32, #tpu.memory_space<hbm>> -> memref<640xf32, #tpu.memory_space<hbm>>
    tpu.wait_dma2 semaphore(%arg26 : memref<!tpu.dma_semaphore, #tpu.memory_space<semaphore_mem>>) src(%dma_wait3A_51 : memref<640xf32, #tpu.memory_space<hbm>>) dst(%dma_wait3A_50 : memref<640xf32, #tpu.memory_space<vmem_shared>>)
    %barrier3A = arith.constant 0 : index
    tpu.barrier barrier_id(%barrier3A)
    %scan3A = arith.constant 0 : i32
    %scan3A_52 = arith.constant 0 : i32
    %scan3A_53 = arith.constant 50 : i32
    %scan3A_54 = arith.addi %scan3A_52, %scan3A_53 : i32
    %scan3A_55 = arith.constant 1 : i32
    scf.for %scan3A_92 = %scan3A_52 to %scan3A_54 step %scan3A_55  : i32 {
      %mul3A_93 = arith.constant 5 : i32
      %mul3A_94 = arith.muli %scan3A_92, %mul3A_93 : i32
      %add3A_95 = arith.constant 0 : i32
      %add3A_96 = arith.addi %mul3A_94, %add3A_95 : i32
      %ge3A = arith.constant 2 : i32
      %ge3A_97 = arith.cmpi sge, %add3A_96, %ge3A : i32
      %convert_element_type3A = arith.extui %ge3A_97 : i1 to i32
      %cond3A = arith.constant 0 : i32
      %cond3A_98 = arith.cmpi ne, %convert_element_type3A, %cond3A : i32
      scf.if %cond3A_98 {
        %sub3A = arith.constant 2 : i32
        %sub3A_254 = arith.subi %add3A_96, %sub3A : i32
        %mul3A_255 = arith.constant 40 : i32
        %mul3A_256 = arith.muli %sub3A_254, %mul3A_255 : i32
        %dma_wait3A_257 = tpu.memref_slice %arg11[%mul3A_256] : memref<10000xi32, #tpu.memory_space<vmem>> -> memref<40xi32, #tpu.memory_space<vmem>>
        %dma_wait3A_258 = arith.constant 0 : i32
        %dma_wait3A_259 = arith.constant 0 : i32
        %dma_wait3A_260 = tpu.memref_slice %arg18[%dma_wait3A_258, %dma_wait3A_259] : memref<10240x128xf32, #tpu.memory_space<vmem_shared>> -> memref<10240x128xf32, #tpu.memory_space<vmem_shared>>
        tpu.wait_indirect_dma semaphore(%arg28 : memref<!tpu.dma_semaphore, #tpu.memory_space<semaphore_mem>>) src(%arg15 : memref<40x128xf32, #tpu.memory_space<vmem>>) dst(%dma_wait3A_260 : memref<10240x128xf32, #tpu.memory_space<vmem_shared>>)
        %sub3A_261 = arith.constant 2 : i32
        %sub3A_262 = arith.subi %add3A_96, %sub3A_261 : i32
        %mul3A_263 = arith.constant 40 : i32
        %mul3A_264 = arith.muli %sub3A_262, %mul3A_263 : i32
        %dma_wait3A_265 = tpu.memref_slice %arg11[%mul3A_264] : memref<10000xi32, #tpu.memory_space<vmem>> -> memref<40xi32, #tpu.memory_space<vmem>>
        %dma_wait3A_266 = arith.constant 0 : i32
        %dma_wait3A_267 = tpu.memref_slice %arg19[%dma_wait3A_266] : memref<10240xf32, #tpu.memory_space<vmem_shared>> -> memref<10240xf32, #tpu.memory_space<vmem_shared>>
        tpu.wait_indirect_dma semaphore(%arg30 : memref<!tpu.dma_semaphore, #tpu.memory_space<semaphore_mem>>) src(%arg17 : memref<40xf32, #tpu.memory_space<vmem>>) dst(%dma_wait3A_267 : memref<10240xf32, #tpu.memory_space<vmem_shared>>)
      } else {
      }
      %add3A_99 = arith.constant 3 : i32
      %add3A_100 = arith.addi %add3A_96, %add3A_99 : i32
      %le3A = arith.constant 249 : i32
      %le3A_101 = arith.cmpi sle, %add3A_100, %le3A : i32
      %convert_element_type3A_102 = arith.extui %le3A_101 : i1 to i32
      %cond3A_103 = arith.constant 0 : i32
      %cond3A_104 = arith.cmpi ne, %convert_element_type3A_102, %cond3A_103 : i32
      scf.if %cond3A_104 {
        %add3A_254 = arith.constant 3 : i32
        %add3A_255 = arith.addi %add3A_96, %add3A_254 : i32
        %mul3A_256 = arith.constant 40 : i32
        %mul3A_257 = arith.muli %add3A_255, %mul3A_256 : i32
        %dma_start3A_258 = tpu.memref_slice %arg10[%mul3A_257] : memref<10000xi32, #tpu.memory_space<vmem>> -> memref<40xi32, #tpu.memory_space<vmem>>
        %dma_start3A_259 = arith.constant 0 : i32
        %dma_start3A_260 = arith.constant 0 : i32
        %dma_start3A_261 = tpu.memref_slice %arg2[%dma_start3A_259, %dma_start3A_260] : memref<10000x128xf32, #tpu.memory_space<hbm>> -> memref<10000x128xf32, #tpu.memory_space<hbm>>
        tpu.enqueue_indirect_dma source(%dma_start3A_261 : memref<10000x128xf32, #tpu.memory_space<hbm>>) target(%arg15 : memref<40x128xf32, #tpu.memory_space<vmem>>) offsets(%dma_start3A_258 : memref<40xi32, #tpu.memory_space<vmem>>) semaphore(%arg23 : memref<!tpu.dma_semaphore, #tpu.memory_space<semaphore_mem>>)
      } else {
      }
      %mul3A_105 = arith.constant 40 : i32
      %mul3A_106 = arith.muli %add3A_96, %mul3A_105 : i32
      %dma_wait3A_107 = tpu.memref_slice %arg10[%mul3A_106] : memref<10000xi32, #tpu.memory_space<vmem>> -> memref<40xi32, #tpu.memory_space<vmem>>
      %dma_wait3A_108 = arith.constant 0 : i32
      %dma_wait3A_109 = arith.constant 0 : i32
      %dma_wait3A_110 = tpu.memref_slice %arg2[%dma_wait3A_108, %dma_wait3A_109] : memref<10000x128xf32, #tpu.memory_space<hbm>> -> memref<10000x128xf32, #tpu.memory_space<hbm>>
      tpu.wait_indirect_dma semaphore(%arg20 : memref<!tpu.dma_semaphore, #tpu.memory_space<semaphore_mem>>) src(%dma_wait3A_110 : memref<10000x128xf32, #tpu.memory_space<hbm>>) dst(%arg12 : memref<40x128xf32, #tpu.memory_space<vmem>>)
      %mul3A_111 = arith.constant 40 : i32
      %mul3A_112 = arith.muli %add3A_96, %mul3A_111 : i32
      %dma_start3A_113 = tpu.memref_slice %arg11[%mul3A_112] : memref<10000xi32, #tpu.memory_space<vmem>> -> memref<40xi32, #tpu.memory_space<vmem>>
      %dma_start3A_114 = arith.constant 0 : i32
      %dma_start3A_115 = arith.constant 0 : i32
      %dma_start3A_116 = tpu.memref_slice %arg18[%dma_start3A_114, %dma_start3A_115] : memref<10240x128xf32, #tpu.memory_space<vmem_shared>> -> memref<10240x128xf32, #tpu.memory_space<vmem_shared>>
      tpu.enqueue_indirect_dma source(%arg12 : memref<40x128xf32, #tpu.memory_space<vmem>>) target(%dma_start3A_116 : memref<10240x128xf32, #tpu.memory_space<vmem_shared>>) offsets(%dma_start3A_113 : memref<40xi32, #tpu.memory_space<vmem>>) semaphore(%arg25 : memref<!tpu.dma_semaphore, #tpu.memory_space<semaphore_mem>>) {add = true}
      %mul3A_117 = arith.constant 40 : i32
      %mul3A_118 = arith.muli %add3A_96, %mul3A_117 : i32
      %dma_start3A_119 = tpu.memref_slice %arg11[%mul3A_118] : memref<10000xi32, #tpu.memory_space<vmem>> -> memref<40xi32, #tpu.memory_space<vmem>>
      %dma_start3A_120 = arith.constant 0 : i32
      %dma_start3A_121 = tpu.memref_slice %arg19[%dma_start3A_120] : memref<10240xf32, #tpu.memory_space<vmem_shared>> -> memref<10240xf32, #tpu.memory_space<vmem_shared>>
      tpu.enqueue_indirect_dma source(%arg17 : memref<40xf32, #tpu.memory_space<vmem>>) target(%dma_start3A_121 : memref<10240xf32, #tpu.memory_space<vmem_shared>>) offsets(%dma_start3A_119 : memref<40xi32, #tpu.memory_space<vmem>>) semaphore(%arg30 : memref<!tpu.dma_semaphore, #tpu.memory_space<semaphore_mem>>) {add = true}
      %mul3A_122 = arith.constant 5 : i32
      %mul3A_123 = arith.muli %scan3A_92, %mul3A_122 : i32
      %add3A_124 = arith.constant 1 : i32
      %add3A_125 = arith.addi %mul3A_123, %add3A_124 : i32
      %ge3A_126 = arith.constant 2 : i32
      %ge3A_127 = arith.cmpi sge, %add3A_125, %ge3A_126 : i32
      %convert_element_type3A_128 = arith.extui %ge3A_127 : i1 to i32
      %cond3A_129 = arith.constant 0 : i32
      %cond3A_130 = arith.cmpi ne, %convert_element_type3A_128, %cond3A_129 : i32
      scf.if %cond3A_130 {
        %sub3A = arith.constant 2 : i32
        %sub3A_254 = arith.subi %add3A_125, %sub3A : i32
        %mul3A_255 = arith.constant 40 : i32
        %mul3A_256 = arith.muli %sub3A_254, %mul3A_255 : i32
        %dma_wait3A_257 = tpu.memref_slice %arg11[%mul3A_256] : memref<10000xi32, #tpu.memory_space<vmem>> -> memref<40xi32, #tpu.memory_space<vmem>>
        %dma_wait3A_258 = arith.constant 0 : i32
        %dma_wait3A_259 = arith.constant 0 : i32
        %dma_wait3A_260 = tpu.memref_slice %arg18[%dma_wait3A_258, %dma_wait3A_259] : memref<10240x128xf32, #tpu.memory_space<vmem_shared>> -> memref<10240x128xf32, #tpu.memory_space<vmem_shared>>
        tpu.wait_indirect_dma semaphore(%arg29 : memref<!tpu.dma_semaphore, #tpu.memory_space<semaphore_mem>>) src(%arg16 : memref<40x128xf32, #tpu.memory_space<vmem>>) dst(%dma_wait3A_260 : memref<10240x128xf32, #tpu.memory_space<vmem_shared>>)
        %sub3A_261 = arith.constant 2 : i32
        %sub3A_262 = arith.subi %add3A_125, %sub3A_261 : i32
        %mul3A_263 = arith.constant 40 : i32
        %mul3A_264 = arith.muli %sub3A_262, %mul3A_263 : i32
        %dma_wait3A_265 = tpu.memref_slice %arg11[%mul3A_264] : memref<10000xi32, #tpu.memory_space<vmem>> -> memref<40xi32, #tpu.memory_space<vmem>>
        %dma_wait3A_266 = arith.constant 0 : i32
        %dma_wait3A_267 = tpu.memref_slice %arg19[%dma_wait3A_266] : memref<10240xf32, #tpu.memory_space<vmem_shared>> -> memref<10240xf32, #tpu.memory_space<vmem_shared>>
        tpu.wait_indirect_dma semaphore(%arg30 : memref<!tpu.dma_semaphore, #tpu.memory_space<semaphore_mem>>) src(%arg17 : memref<40xf32, #tpu.memory_space<vmem>>) dst(%dma_wait3A_267 : memref<10240xf32, #tpu.memory_space<vmem_shared>>)
      } else {
      }
      %add3A_131 = arith.constant 3 : i32
      %add3A_132 = arith.addi %add3A_125, %add3A_131 : i32
      %le3A_133 = arith.constant 249 : i32
      %le3A_134 = arith.cmpi sle, %add3A_132, %le3A_133 : i32
      %convert_element_type3A_135 = arith.extui %le3A_134 : i1 to i32
      %cond3A_136 = arith.constant 0 : i32
      %cond3A_137 = arith.cmpi ne, %convert_element_type3A_135, %cond3A_136 : i32
      scf.if %cond3A_137 {
        %add3A_254 = arith.constant 3 : i32
        %add3A_255 = arith.addi %add3A_125, %add3A_254 : i32
        %mul3A_256 = arith.constant 40 : i32
        %mul3A_257 = arith.muli %add3A_255, %mul3A_256 : i32
        %dma_start3A_258 = tpu.memref_slice %arg10[%mul3A_257] : memref<10000xi32, #tpu.memory_space<vmem>> -> memref<40xi32, #tpu.memory_space<vmem>>
        %dma_start3A_259 = arith.constant 0 : i32
        %dma_start3A_260 = arith.constant 0 : i32
        %dma_start3A_261 = tpu.memref_slice %arg2[%dma_start3A_259, %dma_start3A_260] : memref<10000x128xf32, #tpu.memory_space<hbm>> -> memref<10000x128xf32, #tpu.memory_space<hbm>>
        tpu.enqueue_indirect_dma source(%dma_start3A_261 : memref<10000x128xf32, #tpu.memory_space<hbm>>) target(%arg16 : memref<40x128xf32, #tpu.memory_space<vmem>>) offsets(%dma_start3A_258 : memref<40xi32, #tpu.memory_space<vmem>>) semaphore(%arg24 : memref<!tpu.dma_semaphore, #tpu.memory_space<semaphore_mem>>)
      } else {
      }
      %mul3A_138 = arith.constant 40 : i32
      %mul3A_139 = arith.muli %add3A_125, %mul3A_138 : i32
      %dma_wait3A_140 = tpu.memref_slice %arg10[%mul3A_139] : memref<10000xi32, #tpu.memory_space<vmem>> -> memref<40xi32, #tpu.memory_space<vmem>>
      %dma_wait3A_141 = arith.constant 0 : i32
      %dma_wait3A_142 = arith.constant 0 : i32
      %dma_wait3A_143 = tpu.memref_slice %arg2[%dma_wait3A_141, %dma_wait3A_142] : memref<10000x128xf32, #tpu.memory_space<hbm>> -> memref<10000x128xf32, #tpu.memory_space<hbm>>
      tpu.wait_indirect_dma semaphore(%arg21 : memref<!tpu.dma_semaphore, #tpu.memory_space<semaphore_mem>>) src(%dma_wait3A_143 : memref<10000x128xf32, #tpu.memory_space<hbm>>) dst(%arg13 : memref<40x128xf32, #tpu.memory_space<vmem>>)
      %mul3A_144 = arith.constant 40 : i32
      %mul3A_145 = arith.muli %add3A_125, %mul3A_144 : i32
      %dma_start3A_146 = tpu.memref_slice %arg11[%mul3A_145] : memref<10000xi32, #tpu.memory_space<vmem>> -> memref<40xi32, #tpu.memory_space<vmem>>
      %dma_start3A_147 = arith.constant 0 : i32
      %dma_start3A_148 = arith.constant 0 : i32
      %dma_start3A_149 = tpu.memref_slice %arg18[%dma_start3A_147, %dma_start3A_148] : memref<10240x128xf32, #tpu.memory_space<vmem_shared>> -> memref<10240x128xf32, #tpu.memory_space<vmem_shared>>
      tpu.enqueue_indirect_dma source(%arg13 : memref<40x128xf32, #tpu.memory_space<vmem>>) target(%dma_start3A_149 : memref<10240x128xf32, #tpu.memory_space<vmem_shared>>) offsets(%dma_start3A_146 : memref<40xi32, #tpu.memory_space<vmem>>) semaphore(%arg26 : memref<!tpu.dma_semaphore, #tpu.memory_space<semaphore_mem>>) {add = true}
      %mul3A_150 = arith.constant 40 : i32
      %mul3A_151 = arith.muli %add3A_125, %mul3A_150 : i32
      %dma_start3A_152 = tpu.memref_slice %arg11[%mul3A_151] : memref<10000xi32, #tpu.memory_space<vmem>> -> memref<40xi32, #tpu.memory_space<vmem>>
      %dma_start3A_153 = arith.constant 0 : i32
      %dma_start3A_154 = tpu.memref_slice %arg19[%dma_start3A_153] : memref<10240xf32, #tpu.memory_space<vmem_shared>> -> memref<10240xf32, #tpu.memory_space<vmem_shared>>
      tpu.enqueue_indirect_dma source(%arg17 : memref<40xf32, #tpu.memory_space<vmem>>) target(%dma_start3A_154 : memref<10240xf32, #tpu.memory_space<vmem_shared>>) offsets(%dma_start3A_152 : memref<40xi32, #tpu.memory_space<vmem>>) semaphore(%arg30 : memref<!tpu.dma_semaphore, #tpu.memory_space<semaphore_mem>>) {add = true}
      %mul3A_155 = arith.constant 5 : i32
      %mul3A_156 = arith.muli %scan3A_92, %mul3A_155 : i32
      %add3A_157 = arith.constant 2 : i32
      %add3A_158 = arith.addi %mul3A_156, %add3A_157 : i32
      %ge3A_159 = arith.constant 2 : i32
      %ge3A_160 = arith.cmpi sge, %add3A_158, %ge3A_159 : i32
      %convert_element_type3A_161 = arith.extui %ge3A_160 : i1 to i32
      %cond3A_162 = arith.constant 0 : i32
      %cond3A_163 = arith.cmpi ne, %convert_element_type3A_161, %cond3A_162 : i32
      scf.if %cond3A_163 {
        %sub3A = arith.constant 2 : i32
        %sub3A_254 = arith.subi %add3A_158, %sub3A : i32
        %mul3A_255 = arith.constant 40 : i32
        %mul3A_256 = arith.muli %sub3A_254, %mul3A_255 : i32
        %dma_wait3A_257 = tpu.memref_slice %arg11[%mul3A_256] : memref<10000xi32, #tpu.memory_space<vmem>> -> memref<40xi32, #tpu.memory_space<vmem>>
        %dma_wait3A_258 = arith.constant 0 : i32
        %dma_wait3A_259 = arith.constant 0 : i32
        %dma_wait3A_260 = tpu.memref_slice %arg18[%dma_wait3A_258, %dma_wait3A_259] : memref<10240x128xf32, #tpu.memory_space<vmem_shared>> -> memref<10240x128xf32, #tpu.memory_space<vmem_shared>>
        tpu.wait_indirect_dma semaphore(%arg25 : memref<!tpu.dma_semaphore, #tpu.memory_space<semaphore_mem>>) src(%arg12 : memref<40x128xf32, #tpu.memory_space<vmem>>) dst(%dma_wait3A_260 : memref<10240x128xf32, #tpu.memory_space<vmem_shared>>)
        %sub3A_261 = arith.constant 2 : i32
        %sub3A_262 = arith.subi %add3A_158, %sub3A_261 : i32
        %mul3A_263 = arith.constant 40 : i32
        %mul3A_264 = arith.muli %sub3A_262, %mul3A_263 : i32
        %dma_wait3A_265 = tpu.memref_slice %arg11[%mul3A_264] : memref<10000xi32, #tpu.memory_space<vmem>> -> memref<40xi32, #tpu.memory_space<vmem>>
        %dma_wait3A_266 = arith.constant 0 : i32
        %dma_wait3A_267 = tpu.memref_slice %arg19[%dma_wait3A_266] : memref<10240xf32, #tpu.memory_space<vmem_shared>> -> memref<10240xf32, #tpu.memory_space<vmem_shared>>
        tpu.wait_indirect_dma semaphore(%arg30 : memref<!tpu.dma_semaphore, #tpu.memory_space<semaphore_mem>>) src(%arg17 : memref<40xf32, #tpu.memory_space<vmem>>) dst(%dma_wait3A_267 : memref<10240xf32, #tpu.memory_space<vmem_shared>>)
      } else {
      }
      %add3A_164 = arith.constant 3 : i32
      %add3A_165 = arith.addi %add3A_158, %add3A_164 : i32
      %le3A_166 = arith.constant 249 : i32
      %le3A_167 = arith.cmpi sle, %add3A_165, %le3A_166 : i32
      %convert_element_type3A_168 = arith.extui %le3A_167 : i1 to i32
      %cond3A_169 = arith.constant 0 : i32
      %cond3A_170 = arith.cmpi ne, %convert_element_type3A_168, %cond3A_169 : i32
      scf.if %cond3A_170 {
        %add3A_254 = arith.constant 3 : i32
        %add3A_255 = arith.addi %add3A_158, %add3A_254 : i32
        %mul3A_256 = arith.constant 40 : i32
        %mul3A_257 = arith.muli %add3A_255, %mul3A_256 : i32
        %dma_start3A_258 = tpu.memref_slice %arg10[%mul3A_257] : memref<10000xi32, #tpu.memory_space<vmem>> -> memref<40xi32, #tpu.memory_space<vmem>>
        %dma_start3A_259 = arith.constant 0 : i32
        %dma_start3A_260 = arith.constant 0 : i32
        %dma_start3A_261 = tpu.memref_slice %arg2[%dma_start3A_259, %dma_start3A_260] : memref<10000x128xf32, #tpu.memory_space<hbm>> -> memref<10000x128xf32, #tpu.memory_space<hbm>>
        tpu.enqueue_indirect_dma source(%dma_start3A_261 : memref<10000x128xf32, #tpu.memory_space<hbm>>) target(%arg12 : memref<40x128xf32, #tpu.memory_space<vmem>>) offsets(%dma_start3A_258 : memref<40xi32, #tpu.memory_space<vmem>>) semaphore(%arg20 : memref<!tpu.dma_semaphore, #tpu.memory_space<semaphore_mem>>)
      } else {
      }
      %mul3A_171 = arith.constant 40 : i32
      %mul3A_172 = arith.muli %add3A_158, %mul3A_171 : i32
      %dma_wait3A_173 = tpu.memref_slice %arg10[%mul3A_172] : memref<10000xi32, #tpu.memory_space<vmem>> -> memref<40xi32, #tpu.memory_space<vmem>>
      %dma_wait3A_174 = arith.constant 0 : i32
      %dma_wait3A_175 = arith.constant 0 : i32
      %dma_wait3A_176 = tpu.memref_slice %arg2[%dma_wait3A_174, %dma_wait3A_175] : memref<10000x128xf32, #tpu.memory_space<hbm>> -> memref<10000x128xf32, #tpu.memory_space<hbm>>
      tpu.wait_indirect_dma semaphore(%arg22 : memref<!tpu.dma_semaphore, #tpu.memory_space<semaphore_mem>>) src(%dma_wait3A_176 : memref<10000x128xf32, #tpu.memory_space<hbm>>) dst(%arg14 : memref<40x128xf32, #tpu.memory_space<vmem>>)
      %mul3A_177 = arith.constant 40 : i32
      %mul3A_178 = arith.muli %add3A_158, %mul3A_177 : i32
      %dma_start3A_179 = tpu.memref_slice %arg11[%mul3A_178] : memref<10000xi32, #tpu.memory_space<vmem>> -> memref<40xi32, #tpu.memory_space<vmem>>
      %dma_start3A_180 = arith.constant 0 : i32
      %dma_start3A_181 = arith.constant 0 : i32
      %dma_start3A_182 = tpu.memref_slice %arg18[%dma_start3A_180, %dma_start3A_181] : memref<10240x128xf32, #tpu.memory_space<vmem_shared>> -> memref<10240x128xf32, #tpu.memory_space<vmem_shared>>
      tpu.enqueue_indirect_dma source(%arg14 : memref<40x128xf32, #tpu.memory_space<vmem>>) target(%dma_start3A_182 : memref<10240x128xf32, #tpu.memory_space<vmem_shared>>) offsets(%dma_start3A_179 : memref<40xi32, #tpu.memory_space<vmem>>) semaphore(%arg27 : memref<!tpu.dma_semaphore, #tpu.memory_space<semaphore_mem>>) {add = true}
      %mul3A_183 = arith.constant 40 : i32
      %mul3A_184 = arith.muli %add3A_158, %mul3A_183 : i32
      %dma_start3A_185 = tpu.memref_slice %arg11[%mul3A_184] : memref<10000xi32, #tpu.memory_space<vmem>> -> memref<40xi32, #tpu.memory_space<vmem>>
      %dma_start3A_186 = arith.constant 0 : i32
      %dma_start3A_187 = tpu.memref_slice %arg19[%dma_start3A_186] : memref<10240xf32, #tpu.memory_space<vmem_shared>> -> memref<10240xf32, #tpu.memory_space<vmem_shared>>
      tpu.enqueue_indirect_dma source(%arg17 : memref<40xf32, #tpu.memory_space<vmem>>) target(%dma_start3A_187 : memref<10240xf32, #tpu.memory_space<vmem_shared>>) offsets(%dma_start3A_185 : memref<40xi32, #tpu.memory_space<vmem>>) semaphore(%arg30 : memref<!tpu.dma_semaphore, #tpu.memory_space<semaphore_mem>>) {add = true}
      %mul3A_188 = arith.constant 5 : i32
      %mul3A_189 = arith.muli %scan3A_92, %mul3A_188 : i32
      %add3A_190 = arith.constant 3 : i32
      %add3A_191 = arith.addi %mul3A_189, %add3A_190 : i32
      %ge3A_192 = arith.constant 2 : i32
      %ge3A_193 = arith.cmpi sge, %add3A_191, %ge3A_192 : i32
      %convert_element_type3A_194 = arith.extui %ge3A_193 : i1 to i32
      %cond3A_195 = arith.constant 0 : i32
      %cond3A_196 = arith.cmpi ne, %convert_element_type3A_194, %cond3A_195 : i32
      scf.if %cond3A_196 {
        %sub3A = arith.constant 2 : i32
        %sub3A_254 = arith.subi %add3A_191, %sub3A : i32
        %mul3A_255 = arith.constant 40 : i32
        %mul3A_256 = arith.muli %sub3A_254, %mul3A_255 : i32
        %dma_wait3A_257 = tpu.memref_slice %arg11[%mul3A_256] : memref<10000xi32, #tpu.memory_space<vmem>> -> memref<40xi32, #tpu.memory_space<vmem>>
        %dma_wait3A_258 = arith.constant 0 : i32
        %dma_wait3A_259 = arith.constant 0 : i32
        %dma_wait3A_260 = tpu.memref_slice %arg18[%dma_wait3A_258, %dma_wait3A_259] : memref<10240x128xf32, #tpu.memory_space<vmem_shared>> -> memref<10240x128xf32, #tpu.memory_space<vmem_shared>>
        tpu.wait_indirect_dma semaphore(%arg26 : memref<!tpu.dma_semaphore, #tpu.memory_space<semaphore_mem>>) src(%arg13 : memref<40x128xf32, #tpu.memory_space<vmem>>) dst(%dma_wait3A_260 : memref<10240x128xf32, #tpu.memory_space<vmem_shared>>)
        %sub3A_261 = arith.constant 2 : i32
        %sub3A_262 = arith.subi %add3A_191, %sub3A_261 : i32
        %mul3A_263 = arith.constant 40 : i32
        %mul3A_264 = arith.muli %sub3A_262, %mul3A_263 : i32
        %dma_wait3A_265 = tpu.memref_slice %arg11[%mul3A_264] : memref<10000xi32, #tpu.memory_space<vmem>> -> memref<40xi32, #tpu.memory_space<vmem>>
        %dma_wait3A_266 = arith.constant 0 : i32
        %dma_wait3A_267 = tpu.memref_slice %arg19[%dma_wait3A_266] : memref<10240xf32, #tpu.memory_space<vmem_shared>> -> memref<10240xf32, #tpu.memory_space<vmem_shared>>
        tpu.wait_indirect_dma semaphore(%arg30 : memref<!tpu.dma_semaphore, #tpu.memory_space<semaphore_mem>>) src(%arg17 : memref<40xf32, #tpu.memory_space<vmem>>) dst(%dma_wait3A_267 : memref<10240xf32, #tpu.memory_space<vmem_shared>>)
      } else {
      }
      %add3A_197 = arith.constant 3 : i32
      %add3A_198 = arith.addi %add3A_191, %add3A_197 : i32
      %le3A_199 = arith.constant 249 : i32
      %le3A_200 = arith.cmpi sle, %add3A_198, %le3A_199 : i32
      %convert_element_type3A_201 = arith.extui %le3A_200 : i1 to i32
      %cond3A_202 = arith.constant 0 : i32
      %cond3A_203 = arith.cmpi ne, %convert_element_type3A_201, %cond3A_202 : i32
      scf.if %cond3A_203 {
        %add3A_254 = arith.constant 3 : i32
        %add3A_255 = arith.addi %add3A_191, %add3A_254 : i32
        %mul3A_256 = arith.constant 40 : i32
        %mul3A_257 = arith.muli %add3A_255, %mul3A_256 : i32
        %dma_start3A_258 = tpu.memref_slice %arg10[%mul3A_257] : memref<10000xi32, #tpu.memory_space<vmem>> -> memref<40xi32, #tpu.memory_space<vmem>>
        %dma_start3A_259 = arith.constant 0 : i32
        %dma_start3A_260 = arith.constant 0 : i32
        %dma_start3A_261 = tpu.memref_slice %arg2[%dma_start3A_259, %dma_start3A_260] : memref<10000x128xf32, #tpu.memory_space<hbm>> -> memref<10000x128xf32, #tpu.memory_space<hbm>>
        tpu.enqueue_indirect_dma source(%dma_start3A_261 : memref<10000x128xf32, #tpu.memory_space<hbm>>) target(%arg13 : memref<40x128xf32, #tpu.memory_space<vmem>>) offsets(%dma_start3A_258 : memref<40xi32, #tpu.memory_space<vmem>>) semaphore(%arg21 : memref<!tpu.dma_semaphore, #tpu.memory_space<semaphore_mem>>)
      } else {
      }
      %mul3A_204 = arith.constant 40 : i32
      %mul3A_205 = arith.muli %add3A_191, %mul3A_204 : i32
      %dma_wait3A_206 = tpu.memref_slice %arg10[%mul3A_205] : memref<10000xi32, #tpu.memory_space<vmem>> -> memref<40xi32, #tpu.memory_space<vmem>>
      %dma_wait3A_207 = arith.constant 0 : i32
      %dma_wait3A_208 = arith.constant 0 : i32
      %dma_wait3A_209 = tpu.memref_slice %arg2[%dma_wait3A_207, %dma_wait3A_208] : memref<10000x128xf32, #tpu.memory_space<hbm>> -> memref<10000x128xf32, #tpu.memory_space<hbm>>
      tpu.wait_indirect_dma semaphore(%arg23 : memref<!tpu.dma_semaphore, #tpu.memory_space<semaphore_mem>>) src(%dma_wait3A_209 : memref<10000x128xf32, #tpu.memory_space<hbm>>) dst(%arg15 : memref<40x128xf32, #tpu.memory_space<vmem>>)
      %mul3A_210 = arith.constant 40 : i32
      %mul3A_211 = arith.muli %add3A_191, %mul3A_210 : i32
      %dma_start3A_212 = tpu.memref_slice %arg11[%mul3A_211] : memref<10000xi32, #tpu.memory_space<vmem>> -> memref<40xi32, #tpu.memory_space<vmem>>
      %dma_start3A_213 = arith.constant 0 : i32
      %dma_start3A_214 = arith.constant 0 : i32
      %dma_start3A_215 = tpu.memref_slice %arg18[%dma_start3A_213, %dma_start3A_214] : memref<10240x128xf32, #tpu.memory_space<vmem_shared>> -> memref<10240x128xf32, #tpu.memory_space<vmem_shared>>
      tpu.enqueue_indirect_dma source(%arg15 : memref<40x128xf32, #tpu.memory_space<vmem>>) target(%dma_start3A_215 : memref<10240x128xf32, #tpu.memory_space<vmem_shared>>) offsets(%dma_start3A_212 : memref<40xi32, #tpu.memory_space<vmem>>) semaphore(%arg28 : memref<!tpu.dma_semaphore, #tpu.memory_space<semaphore_mem>>) {add = true}
      %mul3A_216 = arith.constant 40 : i32
      %mul3A_217 = arith.muli %add3A_191, %mul3A_216 : i32
      %dma_start3A_218 = tpu.memref_slice %arg11[%mul3A_217] : memref<10000xi32, #tpu.memory_space<vmem>> -> memref<40xi32, #tpu.memory_space<vmem>>
      %dma_start3A_219 = arith.constant 0 : i32
      %dma_start3A_220 = tpu.memref_slice %arg19[%dma_start3A_219] : memref<10240xf32, #tpu.memory_space<vmem_shared>> -> memref<10240xf32, #tpu.memory_space<vmem_shared>>
      tpu.enqueue_indirect_dma source(%arg17 : memref<40xf32, #tpu.memory_space<vmem>>) target(%dma_start3A_220 : memref<10240xf32, #tpu.memory_space<vmem_shared>>) offsets(%dma_start3A_218 : memref<40xi32, #tpu.memory_space<vmem>>) semaphore(%arg30 : memref<!tpu.dma_semaphore, #tpu.memory_space<semaphore_mem>>) {add = true}
      %mul3A_221 = arith.constant 5 : i32
      %mul3A_222 = arith.muli %scan3A_92, %mul3A_221 : i32
      %add3A_223 = arith.constant 4 : i32
      %add3A_224 = arith.addi %mul3A_222, %add3A_223 : i32
      %ge3A_225 = arith.constant 2 : i32
      %ge3A_226 = arith.cmpi sge, %add3A_224, %ge3A_225 : i32
      %convert_element_type3A_227 = arith.extui %ge3A_226 : i1 to i32
      %cond3A_228 = arith.constant 0 : i32
      %cond3A_229 = arith.cmpi ne, %convert_element_type3A_227, %cond3A_228 : i32
      scf.if %cond3A_229 {
        %sub3A = arith.constant 2 : i32
        %sub3A_254 = arith.subi %add3A_224, %sub3A : i32
        %mul3A_255 = arith.constant 40 : i32
        %mul3A_256 = arith.muli %sub3A_254, %mul3A_255 : i32
        %dma_wait3A_257 = tpu.memref_slice %arg11[%mul3A_256] : memref<10000xi32, #tpu.memory_space<vmem>> -> memref<40xi32, #tpu.memory_space<vmem>>
        %dma_wait3A_258 = arith.constant 0 : i32
        %dma_wait3A_259 = arith.constant 0 : i32
        %dma_wait3A_260 = tpu.memref_slice %arg18[%dma_wait3A_258, %dma_wait3A_259] : memref<10240x128xf32, #tpu.memory_space<vmem_shared>> -> memref<10240x128xf32, #tpu.memory_space<vmem_shared>>
        tpu.wait_indirect_dma semaphore(%arg27 : memref<!tpu.dma_semaphore, #tpu.memory_space<semaphore_mem>>) src(%arg14 : memref<40x128xf32, #tpu.memory_space<vmem>>) dst(%dma_wait3A_260 : memref<10240x128xf32, #tpu.memory_space<vmem_shared>>)
        %sub3A_261 = arith.constant 2 : i32
        %sub3A_262 = arith.subi %add3A_224, %sub3A_261 : i32
        %mul3A_263 = arith.constant 40 : i32
        %mul3A_264 = arith.muli %sub3A_262, %mul3A_263 : i32
        %dma_wait3A_265 = tpu.memref_slice %arg11[%mul3A_264] : memref<10000xi32, #tpu.memory_space<vmem>> -> memref<40xi32, #tpu.memory_space<vmem>>
        %dma_wait3A_266 = arith.constant 0 : i32
        %dma_wait3A_267 = tpu.memref_slice %arg19[%dma_wait3A_266] : memref<10240xf32, #tpu.memory_space<vmem_shared>> -> memref<10240xf32, #tpu.memory_space<vmem_shared>>
        tpu.wait_indirect_dma semaphore(%arg30 : memref<!tpu.dma_semaphore, #tpu.memory_space<semaphore_mem>>) src(%arg17 : memref<40xf32, #tpu.memory_space<vmem>>) dst(%dma_wait3A_267 : memref<10240xf32, #tpu.memory_space<vmem_shared>>)
      } else {
      }
      %add3A_230 = arith.constant 3 : i32
      %add3A_231 = arith.addi %add3A_224, %add3A_230 : i32
      %le3A_232 = arith.constant 249 : i32
      %le3A_233 = arith.cmpi sle, %add3A_231, %le3A_232 : i32
      %convert_element_type3A_234 = arith.extui %le3A_233 : i1 to i32
      %cond3A_235 = arith.constant 0 : i32
      %cond3A_236 = arith.cmpi ne, %convert_element_type3A_234, %cond3A_235 : i32
      scf.if %cond3A_236 {
        %add3A_254 = arith.constant 3 : i32
        %add3A_255 = arith.addi %add3A_224, %add3A_254 : i32
        %mul3A_256 = arith.constant 40 : i32
        %mul3A_257 = arith.muli %add3A_255, %mul3A_256 : i32
        %dma_start3A_258 = tpu.memref_slice %arg10[%mul3A_257] : memref<10000xi32, #tpu.memory_space<vmem>> -> memref<40xi32, #tpu.memory_space<vmem>>
        %dma_start3A_259 = arith.constant 0 : i32
        %dma_start3A_260 = arith.constant 0 : i32
        %dma_start3A_261 = tpu.memref_slice %arg2[%dma_start3A_259, %dma_start3A_260] : memref<10000x128xf32, #tpu.memory_space<hbm>> -> memref<10000x128xf32, #tpu.memory_space<hbm>>
        tpu.enqueue_indirect_dma source(%dma_start3A_261 : memref<10000x128xf32, #tpu.memory_space<hbm>>) target(%arg14 : memref<40x128xf32, #tpu.memory_space<vmem>>) offsets(%dma_start3A_258 : memref<40xi32, #tpu.memory_space<vmem>>) semaphore(%arg22 : memref<!tpu.dma_semaphore, #tpu.memory_space<semaphore_mem>>)
      } else {
      }
      %mul3A_237 = arith.constant 40 : i32
      %mul3A_238 = arith.muli %add3A_224, %mul3A_237 : i32
      %dma_wait3A_239 = tpu.memref_slice %arg10[%mul3A_238] : memref<10000xi32, #tpu.memory_space<vmem>> -> memref<40xi32, #tpu.memory_space<vmem>>
      %dma_wait3A_240 = arith.constant 0 : i32
      %dma_wait3A_241 = arith.constant 0 : i32
      %dma_wait3A_242 = tpu.memref_slice %arg2[%dma_wait3A_240, %dma_wait3A_241] : memref<10000x128xf32, #tpu.memory_space<hbm>> -> memref<10000x128xf32, #tpu.memory_space<hbm>>
      tpu.wait_indirect_dma semaphore(%arg24 : memref<!tpu.dma_semaphore, #tpu.memory_space<semaphore_mem>>) src(%dma_wait3A_242 : memref<10000x128xf32, #tpu.memory_space<hbm>>) dst(%arg16 : memref<40x128xf32, #tpu.memory_space<vmem>>)
      %mul3A_243 = arith.constant 40 : i32
      %mul3A_244 = arith.muli %add3A_224, %mul3A_243 : i32
      %dma_start3A_245 = tpu.memref_slice %arg11[%mul3A_244] : memref<10000xi32, #tpu.memory_space<vmem>> -> memref<40xi32, #tpu.memory_space<vmem>>
      %dma_start3A_246 = arith.constant 0 : i32
      %dma_start3A_247 = arith.constant 0 : i32
      %dma_start3A_248 = tpu.memref_slice %arg18[%dma_start3A_246, %dma_start3A_247] : memref<10240x128xf32, #tpu.memory_space<vmem_shared>> -> memref<10240x128xf32, #tpu.memory_space<vmem_shared>>
      tpu.enqueue_indirect_dma source(%arg16 : memref<40x128xf32, #tpu.memory_space<vmem>>) target(%dma_start3A_248 : memref<10240x128xf32, #tpu.memory_space<vmem_shared>>) offsets(%dma_start3A_245 : memref<40xi32, #tpu.memory_space<vmem>>) semaphore(%arg29 : memref<!tpu.dma_semaphore, #tpu.memory_space<semaphore_mem>>) {add = true}
      %mul3A_249 = arith.constant 40 : i32
      %mul3A_250 = arith.muli %add3A_224, %mul3A_249 : i32
      %dma_start3A_251 = tpu.memref_slice %arg11[%mul3A_250] : memref<10000xi32, #tpu.memory_space<vmem>> -> memref<40xi32, #tpu.memory_space<vmem>>
      %dma_start3A_252 = arith.constant 0 : i32
      %dma_start3A_253 = tpu.memref_slice %arg19[%dma_start3A_252] : memref<10240xf32, #tpu.memory_space<vmem_shared>> -> memref<10240xf32, #tpu.memory_space<vmem_shared>>
      tpu.enqueue_indirect_dma source(%arg17 : memref<40xf32, #tpu.memory_space<vmem>>) target(%dma_start3A_253 : memref<10240xf32, #tpu.memory_space<vmem_shared>>) offsets(%dma_start3A_251 : memref<40xi32, #tpu.memory_space<vmem>>) semaphore(%arg30 : memref<!tpu.dma_semaphore, #tpu.memory_space<semaphore_mem>>) {add = true}
    }
    %scan3A_56 = arith.constant 50 : i32
    %dma_wait3A_57 = arith.constant 9920 : i32
    %dma_wait3A_58 = tpu.memref_slice %arg11[%dma_wait3A_57] : memref<10000xi32, #tpu.memory_space<vmem>> -> memref<40xi32, #tpu.memory_space<vmem>>
    %dma_wait3A_59 = arith.constant 0 : i32
    %dma_wait3A_60 = arith.constant 0 : i32
    %dma_wait3A_61 = tpu.memref_slice %arg18[%dma_wait3A_59, %dma_wait3A_60] : memref<10240x128xf32, #tpu.memory_space<vmem_shared>> -> memref<10240x128xf32, #tpu.memory_space<vmem_shared>>
    tpu.wait_indirect_dma semaphore(%arg28 : memref<!tpu.dma_semaphore, #tpu.memory_space<semaphore_mem>>) src(%arg15 : memref<40x128xf32, #tpu.memory_space<vmem>>) dst(%dma_wait3A_61 : memref<10240x128xf32, #tpu.memory_space<vmem_shared>>)
    %dma_wait3A_62 = arith.constant 9920 : i32
    %dma_wait3A_63 = tpu.memref_slice %arg11[%dma_wait3A_62] : memref<10000xi32, #tpu.memory_space<vmem>> -> memref<40xi32, #tpu.memory_space<vmem>>
    %dma_wait3A_64 = arith.constant 0 : i32
    %dma_wait3A_65 = tpu.memref_slice %arg19[%dma_wait3A_64] : memref<10240xf32, #tpu.memory_space<vmem_shared>> -> memref<10240xf32, #tpu.memory_space<vmem_shared>>
    tpu.wait_indirect_dma semaphore(%arg30 : memref<!tpu.dma_semaphore, #tpu.memory_space<semaphore_mem>>) src(%arg17 : memref<40xf32, #tpu.memory_space<vmem>>) dst(%dma_wait3A_65 : memref<10240xf32, #tpu.memory_space<vmem_shared>>)
    %dma_wait3A_66 = arith.constant 9960 : i32
    %dma_wait3A_67 = tpu.memref_slice %arg11[%dma_wait3A_66] : memref<10000xi32, #tpu.memory_space<vmem>> -> memref<40xi32, #tpu.memory_space<vmem>>
    %dma_wait3A_68 = arith.constant 0 : i32
    %dma_wait3A_69 = arith.constant 0 : i32
    %dma_wait3A_70 = tpu.memref_slice %arg18[%dma_wait3A_68, %dma_wait3A_69] : memref<10240x128xf32, #tpu.memory_space<vmem_shared>> -> memref<10240x128xf32, #tpu.memory_space<vmem_shared>>
    tpu.wait_indirect_dma semaphore(%arg29 : memref<!tpu.dma_semaphore, #tpu.memory_space<semaphore_mem>>) src(%arg16 : memref<40x128xf32, #tpu.memory_space<vmem>>) dst(%dma_wait3A_70 : memref<10240x128xf32, #tpu.memory_space<vmem_shared>>)
    %dma_wait3A_71 = arith.constant 9960 : i32
    %dma_wait3A_72 = tpu.memref_slice %arg11[%dma_wait3A_71] : memref<10000xi32, #tpu.memory_space<vmem>> -> memref<40xi32, #tpu.memory_space<vmem>>
    %dma_wait3A_73 = arith.constant 0 : i32
    %dma_wait3A_74 = tpu.memref_slice %arg19[%dma_wait3A_73] : memref<10240xf32, #tpu.memory_space<vmem_shared>> -> memref<10240xf32, #tpu.memory_space<vmem_shared>>
    tpu.wait_indirect_dma semaphore(%arg30 : memref<!tpu.dma_semaphore, #tpu.memory_space<semaphore_mem>>) src(%arg17 : memref<40xf32, #tpu.memory_space<vmem>>) dst(%dma_wait3A_74 : memref<10240xf32, #tpu.memory_space<vmem_shared>>)
    %barrier3A_75 = arith.constant 0 : index
    tpu.barrier barrier_id(%barrier3A_75)
    %dma_start3A_76 = arith.constant 0 : i32
    %dma_start3A_77 = tpu.memref_slice %arg8[%arg0, %mul3A_2, %dma_start3A_76] : memref<2x10240x128xf32, #tpu.memory_space<hbm>> -> memref<1x640x128xf32, #tpu.memory_space<hbm>>
    %dma_start3A_78 = tpu.memref_squeeze %dma_start3A_77 : memref<1x640x128xf32, #tpu.memory_space<hbm>> -> memref<640x128xf32, #tpu.memory_space<hbm>>
    %dma_start3A_79 = arith.constant 0 : i32
    %dma_start3A_80 = tpu.memref_slice %arg18[%mul3A_2, %dma_start3A_79] : memref<10240x128xf32, #tpu.memory_space<vmem_shared>> -> memref<640x128xf32, #tpu.memory_space<vmem_shared>>
    tpu.enqueue_dma source(%dma_start3A_80 : memref<640x128xf32, #tpu.memory_space<vmem_shared>>) target(%dma_start3A_78 : memref<640x128xf32, #tpu.memory_space<hbm>>) target_semaphore(%arg20 : memref<!tpu.dma_semaphore, #tpu.memory_space<semaphore_mem>>)
    %dma_start3A_81 = tpu.memref_slice %arg9[%arg0, %mul3A_2] : memref<2x10240xf32, #tpu.memory_space<hbm>> -> memref<1x640xf32, #tpu.memory_space<hbm>>
    %dma_start3A_82 = tpu.memref_squeeze %dma_start3A_81 : memref<1x640xf32, #tpu.memory_space<hbm>> -> memref<640xf32, #tpu.memory_space<hbm>>
    %dma_start3A_83 = tpu.memref_slice %arg19[%mul3A_2] : memref<10240xf32, #tpu.memory_space<vmem_shared>> -> memref<640xf32, #tpu.memory_space<vmem_shared>>
    tpu.enqueue_dma source(%dma_start3A_83 : memref<640xf32, #tpu.memory_space<vmem_shared>>) target(%dma_start3A_82 : memref<640xf32, #tpu.memory_space<hbm>>) target_semaphore(%arg21 : memref<!tpu.dma_semaphore, #tpu.memory_space<semaphore_mem>>)
    %dma_wait3A_84 = arith.constant 0 : i32
    %dma_wait3A_85 = tpu.memref_slice %arg8[%arg0, %mul3A_2, %dma_wait3A_84] : memref<2x10240x128xf32, #tpu.memory_space<hbm>> -> memref<1x640x128xf32, #tpu.memory_space<hbm>>
    %dma_wait3A_86 = tpu.memref_squeeze %dma_wait3A_85 : memref<1x640x128xf32, #tpu.memory_space<hbm>> -> memref<640x128xf32, #tpu.memory_space<hbm>>
    %dma_wait3A_87 = arith.constant 0 : i32
    %dma_wait3A_88 = tpu.memref_slice %arg18[%mul3A_2, %dma_wait3A_87] : memref<10240x128xf32, #tpu.memory_space<vmem_shared>> -> memref<640x128xf32, #tpu.memory_space<vmem_shared>>
    tpu.wait_dma2 semaphore(%arg20 : memref<!tpu.dma_semaphore, #tpu.memory_space<semaphore_mem>>) src(%dma_wait3A_88 : memref<640x128xf32, #tpu.memory_space<vmem_shared>>) dst(%dma_wait3A_86 : memref<640x128xf32, #tpu.memory_space<hbm>>)
    %dma_wait3A_89 = tpu.memref_slice %arg9[%arg0, %mul3A_2] : memref<2x10240xf32, #tpu.memory_space<hbm>> -> memref<1x640xf32, #tpu.memory_space<hbm>>
    %dma_wait3A_90 = tpu.memref_squeeze %dma_wait3A_89 : memref<1x640xf32, #tpu.memory_space<hbm>> -> memref<640xf32, #tpu.memory_space<hbm>>
    %dma_wait3A_91 = tpu.memref_slice %arg19[%mul3A_2] : memref<10240xf32, #tpu.memory_space<vmem_shared>> -> memref<640xf32, #tpu.memory_space<vmem_shared>>
    tpu.wait_dma2 semaphore(%arg21 : memref<!tpu.dma_semaphore, #tpu.memory_space<semaphore_mem>>) src(%dma_wait3A_91 : memref<640xf32, #tpu.memory_space<vmem_shared>>) dst(%dma_wait3A_90 : memref<640xf32, #tpu.memory_space<hbm>>)
    return
  }
}

#map = affine_map<(d0, d1) -> (0, 0)>
#map1 = affine_map<(d0, d1) -> (0)>
#map2 = affine_map<(d0, d1) -> (0, 0, 0)>
module attributes {stable_mosaic.version = 14 : i64} {
  func.func @_sc_agg_body(%arg0: i32, %arg1: i32, %arg2: memref<10000x128xf32, #tpu.memory_space<hbm>>, %arg3: memref<320000xi32, #tpu.memory_space<hbm>>, %arg4: memref<320000xi32, #tpu.memory_space<hbm>>, %arg5: memref<10240x128xf32, #tpu.memory_space<hbm>>, %arg6: memref<10240xf32, #tpu.memory_space<hbm>>, %arg7: memref<1280xf32, #tpu.memory_space<hbm>>, %arg8: memref<2x10240x128xf32, #tpu.memory_space<hbm>>, %arg9: memref<10000xi32, #tpu.memory_space<vmem>>, %arg10: memref<10000xi32, #tpu.memory_space<vmem>>, %arg11: memref<40x128xf32, #tpu.memory_space<vmem>>, %arg12: memref<40x128xf32, #tpu.memory_space<vmem>>, %arg13: memref<40x128xf32, #tpu.memory_space<vmem>>, %arg14: memref<40x128xf32, #tpu.memory_space<vmem>>, %arg15: memref<40x128xf32, #tpu.memory_space<vmem>>, %arg16: memref<40xf32, #tpu.memory_space<vmem>>, %arg17: memref<10240x128xf32, #tpu.memory_space<vmem_shared>>, %arg18: memref<10240xf32, #tpu.memory_space<vmem_shared>>, %arg19: memref<!tpu.dma_semaphore, #tpu.memory_space<semaphore_mem>>, %arg20: memref<!tpu.dma_semaphore, #tpu.memory_space<semaphore_mem>>, %arg21: memref<!tpu.dma_semaphore, #tpu.memory_space<semaphore_mem>>, %arg22: memref<!tpu.dma_semaphore, #tpu.memory_space<semaphore_mem>>, %arg23: memref<!tpu.dma_semaphore, #tpu.memory_space<semaphore_mem>>, %arg24: memref<!tpu.dma_semaphore, #tpu.memory_space<semaphore_mem>>, %arg25: memref<!tpu.dma_semaphore, #tpu.memory_space<semaphore_mem>>, %arg26: memref<!tpu.dma_semaphore, #tpu.memory_space<semaphore_mem>>, %arg27: memref<!tpu.dma_semaphore, #tpu.memory_space<semaphore_mem>>, %arg28: memref<!tpu.dma_semaphore, #tpu.memory_space<semaphore_mem>>, %arg29: memref<!tpu.dma_semaphore, #tpu.memory_space<semaphore_mem>>) attributes {dimension_semantics = [#tpu.dimension_semantics<core_parallel>, #tpu.dimension_semantics<subcore_parallel>], iteration_bounds = array<i64: 2, 16>, scalar_prefetch = 0 : i64, scratch_operands = 21 : i64, tpu.core_type = #tpu.core_type<sc_vector_subcore>, window_params = [{transform_indices = #map}, {transform_indices = #map1}, {transform_indices = #map1}, {transform_indices = #map}, {transform_indices = #map1}, {transform_indices = #map1}, {transform_indices = #map2}]} {
    %mul3A = arith.constant 2 : i32
    %mul3A_0 = arith.muli %arg1, %mul3A : i32
    %add3A = arith.addi %mul3A_0, %arg0 : i32
    %mul3A_1 = arith.constant 640 : i32
    %mul3A_2 = arith.muli %arg1, %mul3A_1 : i32
    %mul3A_3 = arith.constant 10000 : i32
    %mul3A_4 = arith.muli %add3A, %mul3A_3 : i32
    %dma_start3A = tpu.memref_slice %arg3[%mul3A_4] : memref<320000xi32, #tpu.memory_space<hbm>> -> memref<10000xi32, #tpu.memory_space<hbm>>
    %dma_start3A_5 = tpu.memref_slice %arg3[%mul3A_4] : memref<320000xi32, #tpu.memory_space<hbm>> -> memref<10000xi32, #tpu.memory_space<hbm>>
    tpu.enqueue_dma source(%dma_start3A_5 : memref<10000xi32, #tpu.memory_space<hbm>>) target(%arg9 : memref<10000xi32, #tpu.memory_space<vmem>>) target_semaphore(%arg19 : memref<!tpu.dma_semaphore, #tpu.memory_space<semaphore_mem>>)
    %mul3A_6 = arith.constant 10000 : i32
    %mul3A_7 = arith.muli %add3A, %mul3A_6 : i32
    %dma_start3A_8 = tpu.memref_slice %arg4[%mul3A_7] : memref<320000xi32, #tpu.memory_space<hbm>> -> memref<10000xi32, #tpu.memory_space<hbm>>
    %dma_start3A_9 = tpu.memref_slice %arg4[%mul3A_7] : memref<320000xi32, #tpu.memory_space<hbm>> -> memref<10000xi32, #tpu.memory_space<hbm>>
    tpu.enqueue_dma source(%dma_start3A_9 : memref<10000xi32, #tpu.memory_space<hbm>>) target(%arg10 : memref<10000xi32, #tpu.memory_space<vmem>>) target_semaphore(%arg19 : memref<!tpu.dma_semaphore, #tpu.memory_space<semaphore_mem>>)
    %dma_start3A_10 = arith.constant 0 : i32
    %dma_start3A_11 = tpu.memref_slice %arg17[%mul3A_2, %dma_start3A_10] : memref<10240x128xf32, #tpu.memory_space<vmem_shared>> -> memref<640x128xf32, #tpu.memory_space<vmem_shared>>
    %dma_start3A_12 = arith.constant 0 : i32
    %dma_start3A_13 = tpu.memref_slice %arg5[%mul3A_2, %dma_start3A_12] : memref<10240x128xf32, #tpu.memory_space<hbm>> -> memref<640x128xf32, #tpu.memory_space<hbm>>
    tpu.enqueue_dma source(%dma_start3A_13 : memref<640x128xf32, #tpu.memory_space<hbm>>) target(%dma_start3A_11 : memref<640x128xf32, #tpu.memory_space<vmem_shared>>) target_semaphore(%arg24 : memref<!tpu.dma_semaphore, #tpu.memory_space<semaphore_mem>>)
    %mul3A_14 = arith.constant 10000 : i32
    %mul3A_15 = arith.muli %add3A, %mul3A_14 : i32
    %dma_wait3A = tpu.memref_slice %arg3[%mul3A_15] : memref<320000xi32, #tpu.memory_space<hbm>> -> memref<10000xi32, #tpu.memory_space<hbm>>
    %dma_wait3A_16 = tpu.memref_slice %arg3[%mul3A_15] : memref<320000xi32, #tpu.memory_space<hbm>> -> memref<10000xi32, #tpu.memory_space<hbm>>
    tpu.wait_dma2 semaphore(%arg19 : memref<!tpu.dma_semaphore, #tpu.memory_space<semaphore_mem>>) src(%dma_wait3A_16 : memref<10000xi32, #tpu.memory_space<hbm>>) dst(%arg9 : memref<10000xi32, #tpu.memory_space<vmem>>)
    %mul3A_17 = arith.constant 10000 : i32
    %mul3A_18 = arith.muli %add3A, %mul3A_17 : i32
    %dma_wait3A_19 = tpu.memref_slice %arg4[%mul3A_18] : memref<320000xi32, #tpu.memory_space<hbm>> -> memref<10000xi32, #tpu.memory_space<hbm>>
    %dma_wait3A_20 = tpu.memref_slice %arg4[%mul3A_18] : memref<320000xi32, #tpu.memory_space<hbm>> -> memref<10000xi32, #tpu.memory_space<hbm>>
    tpu.wait_dma2 semaphore(%arg19 : memref<!tpu.dma_semaphore, #tpu.memory_space<semaphore_mem>>) src(%dma_wait3A_20 : memref<10000xi32, #tpu.memory_space<hbm>>) dst(%arg10 : memref<10000xi32, #tpu.memory_space<vmem>>)
    %dma_start3A_21 = arith.constant 0 : i32
    %dma_start3A_22 = tpu.memref_slice %arg9[%dma_start3A_21] : memref<10000xi32, #tpu.memory_space<vmem>> -> memref<40xi32, #tpu.memory_space<vmem>>
    %dma_start3A_23 = arith.constant 0 : i32
    %dma_start3A_24 = arith.constant 0 : i32
    %dma_start3A_25 = tpu.memref_slice %arg2[%dma_start3A_23, %dma_start3A_24] : memref<10000x128xf32, #tpu.memory_space<hbm>> -> memref<10000x128xf32, #tpu.memory_space<hbm>>
    tpu.enqueue_indirect_dma source(%dma_start3A_25 : memref<10000x128xf32, #tpu.memory_space<hbm>>) target(%arg11 : memref<40x128xf32, #tpu.memory_space<vmem>>) offsets(%dma_start3A_22 : memref<40xi32, #tpu.memory_space<vmem>>) semaphore(%arg19 : memref<!tpu.dma_semaphore, #tpu.memory_space<semaphore_mem>>)
    %dma_start3A_26 = arith.constant 40 : i32
    %dma_start3A_27 = tpu.memref_slice %arg9[%dma_start3A_26] : memref<10000xi32, #tpu.memory_space<vmem>> -> memref<40xi32, #tpu.memory_space<vmem>>
    %dma_start3A_28 = arith.constant 0 : i32
    %dma_start3A_29 = arith.constant 0 : i32
    %dma_start3A_30 = tpu.memref_slice %arg2[%dma_start3A_28, %dma_start3A_29] : memref<10000x128xf32, #tpu.memory_space<hbm>> -> memref<10000x128xf32, #tpu.memory_space<hbm>>
    tpu.enqueue_indirect_dma source(%dma_start3A_30 : memref<10000x128xf32, #tpu.memory_space<hbm>>) target(%arg12 : memref<40x128xf32, #tpu.memory_space<vmem>>) offsets(%dma_start3A_27 : memref<40xi32, #tpu.memory_space<vmem>>) semaphore(%arg20 : memref<!tpu.dma_semaphore, #tpu.memory_space<semaphore_mem>>)
    %dma_start3A_31 = arith.constant 80 : i32
    %dma_start3A_32 = tpu.memref_slice %arg9[%dma_start3A_31] : memref<10000xi32, #tpu.memory_space<vmem>> -> memref<40xi32, #tpu.memory_space<vmem>>
    %dma_start3A_33 = arith.constant 0 : i32
    %dma_start3A_34 = arith.constant 0 : i32
    %dma_start3A_35 = tpu.memref_slice %arg2[%dma_start3A_33, %dma_start3A_34] : memref<10000x128xf32, #tpu.memory_space<hbm>> -> memref<10000x128xf32, #tpu.memory_space<hbm>>
    tpu.enqueue_indirect_dma source(%dma_start3A_35 : memref<10000x128xf32, #tpu.memory_space<hbm>>) target(%arg13 : memref<40x128xf32, #tpu.memory_space<vmem>>) offsets(%dma_start3A_32 : memref<40xi32, #tpu.memory_space<vmem>>) semaphore(%arg21 : memref<!tpu.dma_semaphore, #tpu.memory_space<semaphore_mem>>)
    %dma_wait3A_36 = arith.constant 0 : i32
    %dma_wait3A_37 = tpu.memref_slice %arg17[%mul3A_2, %dma_wait3A_36] : memref<10240x128xf32, #tpu.memory_space<vmem_shared>> -> memref<640x128xf32, #tpu.memory_space<vmem_shared>>
    %dma_wait3A_38 = arith.constant 0 : i32
    %dma_wait3A_39 = tpu.memref_slice %arg5[%mul3A_2, %dma_wait3A_38] : memref<10240x128xf32, #tpu.memory_space<hbm>> -> memref<640x128xf32, #tpu.memory_space<hbm>>
    tpu.wait_dma2 semaphore(%arg24 : memref<!tpu.dma_semaphore, #tpu.memory_space<semaphore_mem>>) src(%dma_wait3A_39 : memref<640x128xf32, #tpu.memory_space<hbm>>) dst(%dma_wait3A_37 : memref<640x128xf32, #tpu.memory_space<vmem_shared>>)
    %barrier3A = arith.constant 0 : index
    tpu.barrier barrier_id(%barrier3A)
    %scan3A = arith.constant 0 : i32
    %scan3A_40 = arith.constant 0 : i32
    %scan3A_41 = arith.constant 50 : i32
    %scan3A_42 = arith.addi %scan3A_40, %scan3A_41 : i32
    %scan3A_43 = arith.constant 1 : i32
    scf.for %scan3A_66 = %scan3A_40 to %scan3A_42 step %scan3A_43  : i32 {
      %mul3A_67 = arith.constant 5 : i32
      %mul3A_68 = arith.muli %scan3A_66, %mul3A_67 : i32
      %add3A_69 = arith.constant 0 : i32
      %add3A_70 = arith.addi %mul3A_68, %add3A_69 : i32
      %ge3A = arith.constant 2 : i32
      %ge3A_71 = arith.cmpi sge, %add3A_70, %ge3A : i32
      %convert_element_type3A = arith.extui %ge3A_71 : i1 to i32
      %cond3A = arith.constant 0 : i32
      %cond3A_72 = arith.cmpi ne, %convert_element_type3A, %cond3A : i32
      scf.if %cond3A_72 {
        %sub3A = arith.constant 2 : i32
        %sub3A_203 = arith.subi %add3A_70, %sub3A : i32
        %mul3A_204 = arith.constant 40 : i32
        %mul3A_205 = arith.muli %sub3A_203, %mul3A_204 : i32
        %dma_wait3A_206 = tpu.memref_slice %arg10[%mul3A_205] : memref<10000xi32, #tpu.memory_space<vmem>> -> memref<40xi32, #tpu.memory_space<vmem>>
        %dma_wait3A_207 = arith.constant 0 : i32
        %dma_wait3A_208 = arith.constant 0 : i32
        %dma_wait3A_209 = tpu.memref_slice %arg17[%dma_wait3A_207, %dma_wait3A_208] : memref<10240x128xf32, #tpu.memory_space<vmem_shared>> -> memref<10240x128xf32, #tpu.memory_space<vmem_shared>>
        tpu.wait_indirect_dma semaphore(%arg27 : memref<!tpu.dma_semaphore, #tpu.memory_space<semaphore_mem>>) src(%arg14 : memref<40x128xf32, #tpu.memory_space<vmem>>) dst(%dma_wait3A_209 : memref<10240x128xf32, #tpu.memory_space<vmem_shared>>)
        %sub3A_210 = arith.constant 2 : i32
        %sub3A_211 = arith.subi %add3A_70, %sub3A_210 : i32
      } else {
      }
      %add3A_73 = arith.constant 3 : i32
      %add3A_74 = arith.addi %add3A_70, %add3A_73 : i32
      %le3A = arith.constant 249 : i32
      %le3A_75 = arith.cmpi sle, %add3A_74, %le3A : i32
      %convert_element_type3A_76 = arith.extui %le3A_75 : i1 to i32
      %cond3A_77 = arith.constant 0 : i32
      %cond3A_78 = arith.cmpi ne, %convert_element_type3A_76, %cond3A_77 : i32
      scf.if %cond3A_78 {
        %add3A_203 = arith.constant 3 : i32
        %add3A_204 = arith.addi %add3A_70, %add3A_203 : i32
        %mul3A_205 = arith.constant 40 : i32
        %mul3A_206 = arith.muli %add3A_204, %mul3A_205 : i32
        %dma_start3A_207 = tpu.memref_slice %arg9[%mul3A_206] : memref<10000xi32, #tpu.memory_space<vmem>> -> memref<40xi32, #tpu.memory_space<vmem>>
        %dma_start3A_208 = arith.constant 0 : i32
        %dma_start3A_209 = arith.constant 0 : i32
        %dma_start3A_210 = tpu.memref_slice %arg2[%dma_start3A_208, %dma_start3A_209] : memref<10000x128xf32, #tpu.memory_space<hbm>> -> memref<10000x128xf32, #tpu.memory_space<hbm>>
        tpu.enqueue_indirect_dma source(%dma_start3A_210 : memref<10000x128xf32, #tpu.memory_space<hbm>>) target(%arg14 : memref<40x128xf32, #tpu.memory_space<vmem>>) offsets(%dma_start3A_207 : memref<40xi32, #tpu.memory_space<vmem>>) semaphore(%arg22 : memref<!tpu.dma_semaphore, #tpu.memory_space<semaphore_mem>>)
      } else {
      }
      %mul3A_79 = arith.constant 40 : i32
      %mul3A_80 = arith.muli %add3A_70, %mul3A_79 : i32
      %dma_wait3A_81 = tpu.memref_slice %arg9[%mul3A_80] : memref<10000xi32, #tpu.memory_space<vmem>> -> memref<40xi32, #tpu.memory_space<vmem>>
      %dma_wait3A_82 = arith.constant 0 : i32
      %dma_wait3A_83 = arith.constant 0 : i32
      %dma_wait3A_84 = tpu.memref_slice %arg2[%dma_wait3A_82, %dma_wait3A_83] : memref<10000x128xf32, #tpu.memory_space<hbm>> -> memref<10000x128xf32, #tpu.memory_space<hbm>>
      tpu.wait_indirect_dma semaphore(%arg19 : memref<!tpu.dma_semaphore, #tpu.memory_space<semaphore_mem>>) src(%dma_wait3A_84 : memref<10000x128xf32, #tpu.memory_space<hbm>>) dst(%arg11 : memref<40x128xf32, #tpu.memory_space<vmem>>)
      %mul3A_85 = arith.constant 40 : i32
      %mul3A_86 = arith.muli %add3A_70, %mul3A_85 : i32
      %dma_start3A_87 = tpu.memref_slice %arg10[%mul3A_86] : memref<10000xi32, #tpu.memory_space<vmem>> -> memref<40xi32, #tpu.memory_space<vmem>>
      %dma_start3A_88 = arith.constant 0 : i32
      %dma_start3A_89 = arith.constant 0 : i32
      %dma_start3A_90 = tpu.memref_slice %arg17[%dma_start3A_88, %dma_start3A_89] : memref<10240x128xf32, #tpu.memory_space<vmem_shared>> -> memref<10240x128xf32, #tpu.memory_space<vmem_shared>>
      tpu.enqueue_indirect_dma source(%arg11 : memref<40x128xf32, #tpu.memory_space<vmem>>) target(%dma_start3A_90 : memref<10240x128xf32, #tpu.memory_space<vmem_shared>>) offsets(%dma_start3A_87 : memref<40xi32, #tpu.memory_space<vmem>>) semaphore(%arg24 : memref<!tpu.dma_semaphore, #tpu.memory_space<semaphore_mem>>) {add = true}
      %mul3A_91 = arith.constant 5 : i32
      %mul3A_92 = arith.muli %scan3A_66, %mul3A_91 : i32
      %add3A_93 = arith.constant 1 : i32
      %add3A_94 = arith.addi %mul3A_92, %add3A_93 : i32
      %ge3A_95 = arith.constant 2 : i32
      %ge3A_96 = arith.cmpi sge, %add3A_94, %ge3A_95 : i32
      %convert_element_type3A_97 = arith.extui %ge3A_96 : i1 to i32
      %cond3A_98 = arith.constant 0 : i32
      %cond3A_99 = arith.cmpi ne, %convert_element_type3A_97, %cond3A_98 : i32
      scf.if %cond3A_99 {
        %sub3A = arith.constant 2 : i32
        %sub3A_203 = arith.subi %add3A_94, %sub3A : i32
        %mul3A_204 = arith.constant 40 : i32
        %mul3A_205 = arith.muli %sub3A_203, %mul3A_204 : i32
        %dma_wait3A_206 = tpu.memref_slice %arg10[%mul3A_205] : memref<10000xi32, #tpu.memory_space<vmem>> -> memref<40xi32, #tpu.memory_space<vmem>>
        %dma_wait3A_207 = arith.constant 0 : i32
        %dma_wait3A_208 = arith.constant 0 : i32
        %dma_wait3A_209 = tpu.memref_slice %arg17[%dma_wait3A_207, %dma_wait3A_208] : memref<10240x128xf32, #tpu.memory_space<vmem_shared>> -> memref<10240x128xf32, #tpu.memory_space<vmem_shared>>
        tpu.wait_indirect_dma semaphore(%arg28 : memref<!tpu.dma_semaphore, #tpu.memory_space<semaphore_mem>>) src(%arg15 : memref<40x128xf32, #tpu.memory_space<vmem>>) dst(%dma_wait3A_209 : memref<10240x128xf32, #tpu.memory_space<vmem_shared>>)
        %sub3A_210 = arith.constant 2 : i32
        %sub3A_211 = arith.subi %add3A_94, %sub3A_210 : i32
      } else {
      }
      %add3A_100 = arith.constant 3 : i32
      %add3A_101 = arith.addi %add3A_94, %add3A_100 : i32
      %le3A_102 = arith.constant 249 : i32
      %le3A_103 = arith.cmpi sle, %add3A_101, %le3A_102 : i32
      %convert_element_type3A_104 = arith.extui %le3A_103 : i1 to i32
      %cond3A_105 = arith.constant 0 : i32
      %cond3A_106 = arith.cmpi ne, %convert_element_type3A_104, %cond3A_105 : i32
      scf.if %cond3A_106 {
        %add3A_203 = arith.constant 3 : i32
        %add3A_204 = arith.addi %add3A_94, %add3A_203 : i32
        %mul3A_205 = arith.constant 40 : i32
        %mul3A_206 = arith.muli %add3A_204, %mul3A_205 : i32
        %dma_start3A_207 = tpu.memref_slice %arg9[%mul3A_206] : memref<10000xi32, #tpu.memory_space<vmem>> -> memref<40xi32, #tpu.memory_space<vmem>>
        %dma_start3A_208 = arith.constant 0 : i32
        %dma_start3A_209 = arith.constant 0 : i32
        %dma_start3A_210 = tpu.memref_slice %arg2[%dma_start3A_208, %dma_start3A_209] : memref<10000x128xf32, #tpu.memory_space<hbm>> -> memref<10000x128xf32, #tpu.memory_space<hbm>>
        tpu.enqueue_indirect_dma source(%dma_start3A_210 : memref<10000x128xf32, #tpu.memory_space<hbm>>) target(%arg15 : memref<40x128xf32, #tpu.memory_space<vmem>>) offsets(%dma_start3A_207 : memref<40xi32, #tpu.memory_space<vmem>>) semaphore(%arg23 : memref<!tpu.dma_semaphore, #tpu.memory_space<semaphore_mem>>)
      } else {
      }
      %mul3A_107 = arith.constant 40 : i32
      %mul3A_108 = arith.muli %add3A_94, %mul3A_107 : i32
      %dma_wait3A_109 = tpu.memref_slice %arg9[%mul3A_108] : memref<10000xi32, #tpu.memory_space<vmem>> -> memref<40xi32, #tpu.memory_space<vmem>>
      %dma_wait3A_110 = arith.constant 0 : i32
      %dma_wait3A_111 = arith.constant 0 : i32
      %dma_wait3A_112 = tpu.memref_slice %arg2[%dma_wait3A_110, %dma_wait3A_111] : memref<10000x128xf32, #tpu.memory_space<hbm>> -> memref<10000x128xf32, #tpu.memory_space<hbm>>
      tpu.wait_indirect_dma semaphore(%arg20 : memref<!tpu.dma_semaphore, #tpu.memory_space<semaphore_mem>>) src(%dma_wait3A_112 : memref<10000x128xf32, #tpu.memory_space<hbm>>) dst(%arg12 : memref<40x128xf32, #tpu.memory_space<vmem>>)
      %mul3A_113 = arith.constant 40 : i32
      %mul3A_114 = arith.muli %add3A_94, %mul3A_113 : i32
      %dma_start3A_115 = tpu.memref_slice %arg10[%mul3A_114] : memref<10000xi32, #tpu.memory_space<vmem>> -> memref<40xi32, #tpu.memory_space<vmem>>
      %dma_start3A_116 = arith.constant 0 : i32
      %dma_start3A_117 = arith.constant 0 : i32
      %dma_start3A_118 = tpu.memref_slice %arg17[%dma_start3A_116, %dma_start3A_117] : memref<10240x128xf32, #tpu.memory_space<vmem_shared>> -> memref<10240x128xf32, #tpu.memory_space<vmem_shared>>
      tpu.enqueue_indirect_dma source(%arg12 : memref<40x128xf32, #tpu.memory_space<vmem>>) target(%dma_start3A_118 : memref<10240x128xf32, #tpu.memory_space<vmem_shared>>) offsets(%dma_start3A_115 : memref<40xi32, #tpu.memory_space<vmem>>) semaphore(%arg25 : memref<!tpu.dma_semaphore, #tpu.memory_space<semaphore_mem>>) {add = true}
      %mul3A_119 = arith.constant 5 : i32
      %mul3A_120 = arith.muli %scan3A_66, %mul3A_119 : i32
      %add3A_121 = arith.constant 2 : i32
      %add3A_122 = arith.addi %mul3A_120, %add3A_121 : i32
      %ge3A_123 = arith.constant 2 : i32
      %ge3A_124 = arith.cmpi sge, %add3A_122, %ge3A_123 : i32
      %convert_element_type3A_125 = arith.extui %ge3A_124 : i1 to i32
      %cond3A_126 = arith.constant 0 : i32
      %cond3A_127 = arith.cmpi ne, %convert_element_type3A_125, %cond3A_126 : i32
      scf.if %cond3A_127 {
        %sub3A = arith.constant 2 : i32
        %sub3A_203 = arith.subi %add3A_122, %sub3A : i32
        %mul3A_204 = arith.constant 40 : i32
        %mul3A_205 = arith.muli %sub3A_203, %mul3A_204 : i32
        %dma_wait3A_206 = tpu.memref_slice %arg10[%mul3A_205] : memref<10000xi32, #tpu.memory_space<vmem>> -> memref<40xi32, #tpu.memory_space<vmem>>
        %dma_wait3A_207 = arith.constant 0 : i32
        %dma_wait3A_208 = arith.constant 0 : i32
        %dma_wait3A_209 = tpu.memref_slice %arg17[%dma_wait3A_207, %dma_wait3A_208] : memref<10240x128xf32, #tpu.memory_space<vmem_shared>> -> memref<10240x128xf32, #tpu.memory_space<vmem_shared>>
        tpu.wait_indirect_dma semaphore(%arg24 : memref<!tpu.dma_semaphore, #tpu.memory_space<semaphore_mem>>) src(%arg11 : memref<40x128xf32, #tpu.memory_space<vmem>>) dst(%dma_wait3A_209 : memref<10240x128xf32, #tpu.memory_space<vmem_shared>>)
        %sub3A_210 = arith.constant 2 : i32
        %sub3A_211 = arith.subi %add3A_122, %sub3A_210 : i32
      } else {
      }
      %add3A_128 = arith.constant 3 : i32
      %add3A_129 = arith.addi %add3A_122, %add3A_128 : i32
      %le3A_130 = arith.constant 249 : i32
      %le3A_131 = arith.cmpi sle, %add3A_129, %le3A_130 : i32
      %convert_element_type3A_132 = arith.extui %le3A_131 : i1 to i32
      %cond3A_133 = arith.constant 0 : i32
      %cond3A_134 = arith.cmpi ne, %convert_element_type3A_132, %cond3A_133 : i32
      scf.if %cond3A_134 {
        %add3A_203 = arith.constant 3 : i32
        %add3A_204 = arith.addi %add3A_122, %add3A_203 : i32
        %mul3A_205 = arith.constant 40 : i32
        %mul3A_206 = arith.muli %add3A_204, %mul3A_205 : i32
        %dma_start3A_207 = tpu.memref_slice %arg9[%mul3A_206] : memref<10000xi32, #tpu.memory_space<vmem>> -> memref<40xi32, #tpu.memory_space<vmem>>
        %dma_start3A_208 = arith.constant 0 : i32
        %dma_start3A_209 = arith.constant 0 : i32
        %dma_start3A_210 = tpu.memref_slice %arg2[%dma_start3A_208, %dma_start3A_209] : memref<10000x128xf32, #tpu.memory_space<hbm>> -> memref<10000x128xf32, #tpu.memory_space<hbm>>
        tpu.enqueue_indirect_dma source(%dma_start3A_210 : memref<10000x128xf32, #tpu.memory_space<hbm>>) target(%arg11 : memref<40x128xf32, #tpu.memory_space<vmem>>) offsets(%dma_start3A_207 : memref<40xi32, #tpu.memory_space<vmem>>) semaphore(%arg19 : memref<!tpu.dma_semaphore, #tpu.memory_space<semaphore_mem>>)
      } else {
      }
      %mul3A_135 = arith.constant 40 : i32
      %mul3A_136 = arith.muli %add3A_122, %mul3A_135 : i32
      %dma_wait3A_137 = tpu.memref_slice %arg9[%mul3A_136] : memref<10000xi32, #tpu.memory_space<vmem>> -> memref<40xi32, #tpu.memory_space<vmem>>
      %dma_wait3A_138 = arith.constant 0 : i32
      %dma_wait3A_139 = arith.constant 0 : i32
      %dma_wait3A_140 = tpu.memref_slice %arg2[%dma_wait3A_138, %dma_wait3A_139] : memref<10000x128xf32, #tpu.memory_space<hbm>> -> memref<10000x128xf32, #tpu.memory_space<hbm>>
      tpu.wait_indirect_dma semaphore(%arg21 : memref<!tpu.dma_semaphore, #tpu.memory_space<semaphore_mem>>) src(%dma_wait3A_140 : memref<10000x128xf32, #tpu.memory_space<hbm>>) dst(%arg13 : memref<40x128xf32, #tpu.memory_space<vmem>>)
      %mul3A_141 = arith.constant 40 : i32
      %mul3A_142 = arith.muli %add3A_122, %mul3A_141 : i32
      %dma_start3A_143 = tpu.memref_slice %arg10[%mul3A_142] : memref<10000xi32, #tpu.memory_space<vmem>> -> memref<40xi32, #tpu.memory_space<vmem>>
      %dma_start3A_144 = arith.constant 0 : i32
      %dma_start3A_145 = arith.constant 0 : i32
      %dma_start3A_146 = tpu.memref_slice %arg17[%dma_start3A_144, %dma_start3A_145] : memref<10240x128xf32, #tpu.memory_space<vmem_shared>> -> memref<10240x128xf32, #tpu.memory_space<vmem_shared>>
      tpu.enqueue_indirect_dma source(%arg13 : memref<40x128xf32, #tpu.memory_space<vmem>>) target(%dma_start3A_146 : memref<10240x128xf32, #tpu.memory_space<vmem_shared>>) offsets(%dma_start3A_143 : memref<40xi32, #tpu.memory_space<vmem>>) semaphore(%arg26 : memref<!tpu.dma_semaphore, #tpu.memory_space<semaphore_mem>>) {add = true}
      %mul3A_147 = arith.constant 5 : i32
      %mul3A_148 = arith.muli %scan3A_66, %mul3A_147 : i32
      %add3A_149 = arith.constant 3 : i32
      %add3A_150 = arith.addi %mul3A_148, %add3A_149 : i32
      %ge3A_151 = arith.constant 2 : i32
      %ge3A_152 = arith.cmpi sge, %add3A_150, %ge3A_151 : i32
      %convert_element_type3A_153 = arith.extui %ge3A_152 : i1 to i32
      %cond3A_154 = arith.constant 0 : i32
      %cond3A_155 = arith.cmpi ne, %convert_element_type3A_153, %cond3A_154 : i32
      scf.if %cond3A_155 {
        %sub3A = arith.constant 2 : i32
        %sub3A_203 = arith.subi %add3A_150, %sub3A : i32
        %mul3A_204 = arith.constant 40 : i32
        %mul3A_205 = arith.muli %sub3A_203, %mul3A_204 : i32
        %dma_wait3A_206 = tpu.memref_slice %arg10[%mul3A_205] : memref<10000xi32, #tpu.memory_space<vmem>> -> memref<40xi32, #tpu.memory_space<vmem>>
        %dma_wait3A_207 = arith.constant 0 : i32
        %dma_wait3A_208 = arith.constant 0 : i32
        %dma_wait3A_209 = tpu.memref_slice %arg17[%dma_wait3A_207, %dma_wait3A_208] : memref<10240x128xf32, #tpu.memory_space<vmem_shared>> -> memref<10240x128xf32, #tpu.memory_space<vmem_shared>>
        tpu.wait_indirect_dma semaphore(%arg25 : memref<!tpu.dma_semaphore, #tpu.memory_space<semaphore_mem>>) src(%arg12 : memref<40x128xf32, #tpu.memory_space<vmem>>) dst(%dma_wait3A_209 : memref<10240x128xf32, #tpu.memory_space<vmem_shared>>)
        %sub3A_210 = arith.constant 2 : i32
        %sub3A_211 = arith.subi %add3A_150, %sub3A_210 : i32
      } else {
      }
      %add3A_156 = arith.constant 3 : i32
      %add3A_157 = arith.addi %add3A_150, %add3A_156 : i32
      %le3A_158 = arith.constant 249 : i32
      %le3A_159 = arith.cmpi sle, %add3A_157, %le3A_158 : i32
      %convert_element_type3A_160 = arith.extui %le3A_159 : i1 to i32
      %cond3A_161 = arith.constant 0 : i32
      %cond3A_162 = arith.cmpi ne, %convert_element_type3A_160, %cond3A_161 : i32
      scf.if %cond3A_162 {
        %add3A_203 = arith.constant 3 : i32
        %add3A_204 = arith.addi %add3A_150, %add3A_203 : i32
        %mul3A_205 = arith.constant 40 : i32
        %mul3A_206 = arith.muli %add3A_204, %mul3A_205 : i32
        %dma_start3A_207 = tpu.memref_slice %arg9[%mul3A_206] : memref<10000xi32, #tpu.memory_space<vmem>> -> memref<40xi32, #tpu.memory_space<vmem>>
        %dma_start3A_208 = arith.constant 0 : i32
        %dma_start3A_209 = arith.constant 0 : i32
        %dma_start3A_210 = tpu.memref_slice %arg2[%dma_start3A_208, %dma_start3A_209] : memref<10000x128xf32, #tpu.memory_space<hbm>> -> memref<10000x128xf32, #tpu.memory_space<hbm>>
        tpu.enqueue_indirect_dma source(%dma_start3A_210 : memref<10000x128xf32, #tpu.memory_space<hbm>>) target(%arg12 : memref<40x128xf32, #tpu.memory_space<vmem>>) offsets(%dma_start3A_207 : memref<40xi32, #tpu.memory_space<vmem>>) semaphore(%arg20 : memref<!tpu.dma_semaphore, #tpu.memory_space<semaphore_mem>>)
      } else {
      }
      %mul3A_163 = arith.constant 40 : i32
      %mul3A_164 = arith.muli %add3A_150, %mul3A_163 : i32
      %dma_wait3A_165 = tpu.memref_slice %arg9[%mul3A_164] : memref<10000xi32, #tpu.memory_space<vmem>> -> memref<40xi32, #tpu.memory_space<vmem>>
      %dma_wait3A_166 = arith.constant 0 : i32
      %dma_wait3A_167 = arith.constant 0 : i32
      %dma_wait3A_168 = tpu.memref_slice %arg2[%dma_wait3A_166, %dma_wait3A_167] : memref<10000x128xf32, #tpu.memory_space<hbm>> -> memref<10000x128xf32, #tpu.memory_space<hbm>>
      tpu.wait_indirect_dma semaphore(%arg22 : memref<!tpu.dma_semaphore, #tpu.memory_space<semaphore_mem>>) src(%dma_wait3A_168 : memref<10000x128xf32, #tpu.memory_space<hbm>>) dst(%arg14 : memref<40x128xf32, #tpu.memory_space<vmem>>)
      %mul3A_169 = arith.constant 40 : i32
      %mul3A_170 = arith.muli %add3A_150, %mul3A_169 : i32
      %dma_start3A_171 = tpu.memref_slice %arg10[%mul3A_170] : memref<10000xi32, #tpu.memory_space<vmem>> -> memref<40xi32, #tpu.memory_space<vmem>>
      %dma_start3A_172 = arith.constant 0 : i32
      %dma_start3A_173 = arith.constant 0 : i32
      %dma_start3A_174 = tpu.memref_slice %arg17[%dma_start3A_172, %dma_start3A_173] : memref<10240x128xf32, #tpu.memory_space<vmem_shared>> -> memref<10240x128xf32, #tpu.memory_space<vmem_shared>>
      tpu.enqueue_indirect_dma source(%arg14 : memref<40x128xf32, #tpu.memory_space<vmem>>) target(%dma_start3A_174 : memref<10240x128xf32, #tpu.memory_space<vmem_shared>>) offsets(%dma_start3A_171 : memref<40xi32, #tpu.memory_space<vmem>>) semaphore(%arg27 : memref<!tpu.dma_semaphore, #tpu.memory_space<semaphore_mem>>) {add = true}
      %mul3A_175 = arith.constant 5 : i32
      %mul3A_176 = arith.muli %scan3A_66, %mul3A_175 : i32
      %add3A_177 = arith.constant 4 : i32
      %add3A_178 = arith.addi %mul3A_176, %add3A_177 : i32
      %ge3A_179 = arith.constant 2 : i32
      %ge3A_180 = arith.cmpi sge, %add3A_178, %ge3A_179 : i32
      %convert_element_type3A_181 = arith.extui %ge3A_180 : i1 to i32
      %cond3A_182 = arith.constant 0 : i32
      %cond3A_183 = arith.cmpi ne, %convert_element_type3A_181, %cond3A_182 : i32
      scf.if %cond3A_183 {
        %sub3A = arith.constant 2 : i32
        %sub3A_203 = arith.subi %add3A_178, %sub3A : i32
        %mul3A_204 = arith.constant 40 : i32
        %mul3A_205 = arith.muli %sub3A_203, %mul3A_204 : i32
        %dma_wait3A_206 = tpu.memref_slice %arg10[%mul3A_205] : memref<10000xi32, #tpu.memory_space<vmem>> -> memref<40xi32, #tpu.memory_space<vmem>>
        %dma_wait3A_207 = arith.constant 0 : i32
        %dma_wait3A_208 = arith.constant 0 : i32
        %dma_wait3A_209 = tpu.memref_slice %arg17[%dma_wait3A_207, %dma_wait3A_208] : memref<10240x128xf32, #tpu.memory_space<vmem_shared>> -> memref<10240x128xf32, #tpu.memory_space<vmem_shared>>
        tpu.wait_indirect_dma semaphore(%arg26 : memref<!tpu.dma_semaphore, #tpu.memory_space<semaphore_mem>>) src(%arg13 : memref<40x128xf32, #tpu.memory_space<vmem>>) dst(%dma_wait3A_209 : memref<10240x128xf32, #tpu.memory_space<vmem_shared>>)
        %sub3A_210 = arith.constant 2 : i32
        %sub3A_211 = arith.subi %add3A_178, %sub3A_210 : i32
      } else {
      }
      %add3A_184 = arith.constant 3 : i32
      %add3A_185 = arith.addi %add3A_178, %add3A_184 : i32
      %le3A_186 = arith.constant 249 : i32
      %le3A_187 = arith.cmpi sle, %add3A_185, %le3A_186 : i32
      %convert_element_type3A_188 = arith.extui %le3A_187 : i1 to i32
      %cond3A_189 = arith.constant 0 : i32
      %cond3A_190 = arith.cmpi ne, %convert_element_type3A_188, %cond3A_189 : i32
      scf.if %cond3A_190 {
        %add3A_203 = arith.constant 3 : i32
        %add3A_204 = arith.addi %add3A_178, %add3A_203 : i32
        %mul3A_205 = arith.constant 40 : i32
        %mul3A_206 = arith.muli %add3A_204, %mul3A_205 : i32
        %dma_start3A_207 = tpu.memref_slice %arg9[%mul3A_206] : memref<10000xi32, #tpu.memory_space<vmem>> -> memref<40xi32, #tpu.memory_space<vmem>>
        %dma_start3A_208 = arith.constant 0 : i32
        %dma_start3A_209 = arith.constant 0 : i32
        %dma_start3A_210 = tpu.memref_slice %arg2[%dma_start3A_208, %dma_start3A_209] : memref<10000x128xf32, #tpu.memory_space<hbm>> -> memref<10000x128xf32, #tpu.memory_space<hbm>>
        tpu.enqueue_indirect_dma source(%dma_start3A_210 : memref<10000x128xf32, #tpu.memory_space<hbm>>) target(%arg13 : memref<40x128xf32, #tpu.memory_space<vmem>>) offsets(%dma_start3A_207 : memref<40xi32, #tpu.memory_space<vmem>>) semaphore(%arg21 : memref<!tpu.dma_semaphore, #tpu.memory_space<semaphore_mem>>)
      } else {
      }
      %mul3A_191 = arith.constant 40 : i32
      %mul3A_192 = arith.muli %add3A_178, %mul3A_191 : i32
      %dma_wait3A_193 = tpu.memref_slice %arg9[%mul3A_192] : memref<10000xi32, #tpu.memory_space<vmem>> -> memref<40xi32, #tpu.memory_space<vmem>>
      %dma_wait3A_194 = arith.constant 0 : i32
      %dma_wait3A_195 = arith.constant 0 : i32
      %dma_wait3A_196 = tpu.memref_slice %arg2[%dma_wait3A_194, %dma_wait3A_195] : memref<10000x128xf32, #tpu.memory_space<hbm>> -> memref<10000x128xf32, #tpu.memory_space<hbm>>
      tpu.wait_indirect_dma semaphore(%arg23 : memref<!tpu.dma_semaphore, #tpu.memory_space<semaphore_mem>>) src(%dma_wait3A_196 : memref<10000x128xf32, #tpu.memory_space<hbm>>) dst(%arg15 : memref<40x128xf32, #tpu.memory_space<vmem>>)
      %mul3A_197 = arith.constant 40 : i32
      %mul3A_198 = arith.muli %add3A_178, %mul3A_197 : i32
      %dma_start3A_199 = tpu.memref_slice %arg10[%mul3A_198] : memref<10000xi32, #tpu.memory_space<vmem>> -> memref<40xi32, #tpu.memory_space<vmem>>
      %dma_start3A_200 = arith.constant 0 : i32
      %dma_start3A_201 = arith.constant 0 : i32
      %dma_start3A_202 = tpu.memref_slice %arg17[%dma_start3A_200, %dma_start3A_201] : memref<10240x128xf32, #tpu.memory_space<vmem_shared>> -> memref<10240x128xf32, #tpu.memory_space<vmem_shared>>
      tpu.enqueue_indirect_dma source(%arg15 : memref<40x128xf32, #tpu.memory_space<vmem>>) target(%dma_start3A_202 : memref<10240x128xf32, #tpu.memory_space<vmem_shared>>) offsets(%dma_start3A_199 : memref<40xi32, #tpu.memory_space<vmem>>) semaphore(%arg28 : memref<!tpu.dma_semaphore, #tpu.memory_space<semaphore_mem>>) {add = true}
    }
    %scan3A_44 = arith.constant 50 : i32
    %dma_wait3A_45 = arith.constant 9920 : i32
    %dma_wait3A_46 = tpu.memref_slice %arg10[%dma_wait3A_45] : memref<10000xi32, #tpu.memory_space<vmem>> -> memref<40xi32, #tpu.memory_space<vmem>>
    %dma_wait3A_47 = arith.constant 0 : i32
    %dma_wait3A_48 = arith.constant 0 : i32
    %dma_wait3A_49 = tpu.memref_slice %arg17[%dma_wait3A_47, %dma_wait3A_48] : memref<10240x128xf32, #tpu.memory_space<vmem_shared>> -> memref<10240x128xf32, #tpu.memory_space<vmem_shared>>
    tpu.wait_indirect_dma semaphore(%arg27 : memref<!tpu.dma_semaphore, #tpu.memory_space<semaphore_mem>>) src(%arg14 : memref<40x128xf32, #tpu.memory_space<vmem>>) dst(%dma_wait3A_49 : memref<10240x128xf32, #tpu.memory_space<vmem_shared>>)
    %dma_wait3A_50 = arith.constant 9960 : i32
    %dma_wait3A_51 = tpu.memref_slice %arg10[%dma_wait3A_50] : memref<10000xi32, #tpu.memory_space<vmem>> -> memref<40xi32, #tpu.memory_space<vmem>>
    %dma_wait3A_52 = arith.constant 0 : i32
    %dma_wait3A_53 = arith.constant 0 : i32
    %dma_wait3A_54 = tpu.memref_slice %arg17[%dma_wait3A_52, %dma_wait3A_53] : memref<10240x128xf32, #tpu.memory_space<vmem_shared>> -> memref<10240x128xf32, #tpu.memory_space<vmem_shared>>
    tpu.wait_indirect_dma semaphore(%arg28 : memref<!tpu.dma_semaphore, #tpu.memory_space<semaphore_mem>>) src(%arg15 : memref<40x128xf32, #tpu.memory_space<vmem>>) dst(%dma_wait3A_54 : memref<10240x128xf32, #tpu.memory_space<vmem_shared>>)
    %barrier3A_55 = arith.constant 0 : index
    tpu.barrier barrier_id(%barrier3A_55)
    %dma_start3A_56 = arith.constant 0 : i32
    %dma_start3A_57 = tpu.memref_slice %arg8[%arg0, %mul3A_2, %dma_start3A_56] : memref<2x10240x128xf32, #tpu.memory_space<hbm>> -> memref<1x640x128xf32, #tpu.memory_space<hbm>>
    %dma_start3A_58 = tpu.memref_squeeze %dma_start3A_57 : memref<1x640x128xf32, #tpu.memory_space<hbm>> -> memref<640x128xf32, #tpu.memory_space<hbm>>
    %dma_start3A_59 = arith.constant 0 : i32
    %dma_start3A_60 = tpu.memref_slice %arg17[%mul3A_2, %dma_start3A_59] : memref<10240x128xf32, #tpu.memory_space<vmem_shared>> -> memref<640x128xf32, #tpu.memory_space<vmem_shared>>
    tpu.enqueue_dma source(%dma_start3A_60 : memref<640x128xf32, #tpu.memory_space<vmem_shared>>) target(%dma_start3A_58 : memref<640x128xf32, #tpu.memory_space<hbm>>) target_semaphore(%arg19 : memref<!tpu.dma_semaphore, #tpu.memory_space<semaphore_mem>>)
    %dma_wait3A_61 = arith.constant 0 : i32
    %dma_wait3A_62 = tpu.memref_slice %arg8[%arg0, %mul3A_2, %dma_wait3A_61] : memref<2x10240x128xf32, #tpu.memory_space<hbm>> -> memref<1x640x128xf32, #tpu.memory_space<hbm>>
    %dma_wait3A_63 = tpu.memref_squeeze %dma_wait3A_62 : memref<1x640x128xf32, #tpu.memory_space<hbm>> -> memref<640x128xf32, #tpu.memory_space<hbm>>
    %dma_wait3A_64 = arith.constant 0 : i32
    %dma_wait3A_65 = tpu.memref_slice %arg17[%mul3A_2, %dma_wait3A_64] : memref<10240x128xf32, #tpu.memory_space<vmem_shared>> -> memref<640x128xf32, #tpu.memory_space<vmem_shared>>
    tpu.wait_dma2 semaphore(%arg19 : memref<!tpu.dma_semaphore, #tpu.memory_space<semaphore_mem>>) src(%dma_wait3A_65 : memref<640x128xf32, #tpu.memory_space<vmem_shared>>) dst(%dma_wait3A_63 : memref<640x128xf32, #tpu.memory_space<hbm>>)
    return
  }
}

module attributes {stable_mosaic.version = 14 : i64} {
  func.func @body(%arg0: i32, %arg1: memref<1000x128xf32, #tpu.memory_space<vmem>>, %arg2: memref<1x1000x128xf32, #tpu.memory_space<vmem>>, %arg3: memref<1x1000x128xf32, #tpu.memory_space<vmem>>, %arg4: memref<1x1000x1xf32, #tpu.memory_space<vmem>>, %arg5: memref<1x1000x1xf32, #tpu.memory_space<vmem>>, %arg6: memref<128x128xf32, #tpu.memory_space<vmem>>, %arg7: memref<128x128xf32, #tpu.memory_space<vmem>>, %arg8: memref<1x128xf32, #tpu.memory_space<vmem>>, %arg9: memref<128x128xf32, #tpu.memory_space<vmem>>, %arg10: memref<1x128xf32, #tpu.memory_space<vmem>>, %arg11: memref<1000x128xf32, #tpu.memory_space<vmem>>, %arg12: memref<1000x128xf32, #tpu.memory_space<vmem>>) attributes {dimension_semantics = [#tpu.dimension_semantics<arbitrary>], iteration_bounds = array<i64: 10>, scalar_prefetch = 0 : i64, scratch_operands = 0 : i64, tpu.core_type = #tpu.core_type<tc>, window_params = [{transform_indices = @transform_0, window_bounds = array<i64: 1000, 128>}, {transform_indices = @transform_1, window_bounds = array<i64: 1, 1000, 128>}, {transform_indices = @transform_2, window_bounds = array<i64: 1, 1000, 128>}, {transform_indices = @transform_3, window_bounds = array<i64: 1, 1000, 1>}, {transform_indices = @transform_4, window_bounds = array<i64: 1, 1000, 1>}, {pipeline_mode = #tpu.pipeline_mode<synchronous>, transform_indices = @transform_5, window_bounds = array<i64: 128, 128>}, {pipeline_mode = #tpu.pipeline_mode<synchronous>, transform_indices = @transform_6, window_bounds = array<i64: 128, 128>}, {pipeline_mode = #tpu.pipeline_mode<synchronous>, transform_indices = @transform_7, window_bounds = array<i64: 1, 128>}, {pipeline_mode = #tpu.pipeline_mode<synchronous>, transform_indices = @transform_8, window_bounds = array<i64: 128, 128>}, {pipeline_mode = #tpu.pipeline_mode<synchronous>, transform_indices = @transform_9, window_bounds = array<i64: 1, 128>}, {transform_indices = @transform_10, window_bounds = array<i64: 1000, 128>}, {transform_indices = @transform_11, window_bounds = array<i64: 1000, 128>}]} {
    %get3A = arith.constant 0 : index
    %get3A_0 = arith.constant 0 : index
    %get3A_1 = arith.constant 0 : index
    %get3A_2 = vector.load %arg4[%get3A, %get3A_0, %get3A_1] : memref<1x1000x1xf32, #tpu.memory_space<vmem>>, vector<1x1000x1xf32>
    %get3A_3 = vector.shape_cast %get3A_2 : vector<1x1000x1xf32> to vector<1000x1xf32>
    %get3A_4 = arith.constant 0 : index
    %get3A_5 = arith.constant 0 : index
    %get3A_6 = arith.constant 0 : index
    %get3A_7 = vector.load %arg5[%get3A_4, %get3A_5, %get3A_6] : memref<1x1000x1xf32, #tpu.memory_space<vmem>>, vector<1x1000x1xf32>
    %get3A_8 = vector.shape_cast %get3A_7 : vector<1x1000x1xf32> to vector<1000x1xf32>
    %add3A = arith.addf %get3A_3, %get3A_8 : vector<1000x1xf32>
    %max3A = arith.constant 1.000000e+00 : f32
    %max3A_9 = vector.broadcast %max3A : f32 to vector<1000x1xf32>
    %max3A_10 = arith.maximumf %add3A, %max3A_9 : vector<1000x1xf32>
    %get3A_11 = arith.constant 0 : index
    %get3A_12 = arith.constant 0 : index
    %get3A_13 = arith.constant 0 : index
    %get3A_14 = vector.load %arg2[%get3A_11, %get3A_12, %get3A_13] : memref<1x1000x128xf32, #tpu.memory_space<vmem>>, vector<1x1000x128xf32>
    %get3A_15 = vector.shape_cast %get3A_14 : vector<1x1000x128xf32> to vector<1000x128xf32>
    %get3A_16 = arith.constant 0 : index
    %get3A_17 = arith.constant 0 : index
    %get3A_18 = arith.constant 0 : index
    %get3A_19 = vector.load %arg3[%get3A_16, %get3A_17, %get3A_18] : memref<1x1000x128xf32, #tpu.memory_space<vmem>>, vector<1x1000x128xf32>
    %get3A_20 = vector.shape_cast %get3A_19 : vector<1x1000x128xf32> to vector<1000x128xf32>
    %add3A_21 = arith.addf %get3A_15, %get3A_20 : vector<1000x128xf32>
    %div3A = vector.broadcast %max3A_10 : vector<1000x1xf32> to vector<1000x128xf32>
    %div3A_22 = arith.divf %add3A_21, %div3A : vector<1000x128xf32>
    %get3A_23 = arith.constant 0 : index
    %get3A_24 = arith.constant 0 : index
    %get3A_25 = vector.load %arg1[%get3A_23, %get3A_24] : memref<1000x128xf32, #tpu.memory_space<vmem>>, vector<1000x128xf32>
    %get3A_26 = arith.constant 0 : index
    %get3A_27 = arith.constant 0 : index
    %get3A_28 = vector.load %arg6[%get3A_26, %get3A_27] : memref<128x128xf32, #tpu.memory_space<vmem>>, vector<128x128xf32>
    %dot_general3A = arith.constant dense<0.000000e+00> : vector<1000x128xf32>
    %dot_general3A_29 = tpu.matmul %get3A_25, %get3A_28, %dot_general3A {dimension_numbers = #tpu.dot_dimension_numbers<[1], [0], [0], [1], [0, 0, 1, 1], [], []>, transpose_lhs_hint = false} : vector<1000x128xf32>, vector<128x128xf32>, vector<1000x128xf32> -> vector<1000x128xf32>
    %get3A_30 = arith.constant 0 : index
    %get3A_31 = arith.constant 0 : index
    %get3A_32 = vector.load %arg7[%get3A_30, %get3A_31] : memref<128x128xf32, #tpu.memory_space<vmem>>, vector<128x128xf32>
    %dot_general3A_33 = arith.constant dense<0.000000e+00> : vector<1000x128xf32>
    %dot_general3A_34 = tpu.matmul %div3A_22, %get3A_32, %dot_general3A_33 {dimension_numbers = #tpu.dot_dimension_numbers<[1], [0], [0], [1], [0, 0, 1, 1], [], []>, transpose_lhs_hint = false} : vector<1000x128xf32>, vector<128x128xf32>, vector<1000x128xf32> -> vector<1000x128xf32>
    %add3A_35 = arith.addf %dot_general3A_29, %dot_general3A_34 : vector<1000x128xf32>
    %get3A_36 = arith.constant 0 : index
    %get3A_37 = arith.constant 0 : index
    %get3A_38 = vector.load %arg8[%get3A_36, %get3A_37] : memref<1x128xf32, #tpu.memory_space<vmem>>, vector<1x128xf32>
    %add3A_39 = vector.broadcast %get3A_38 : vector<1x128xf32> to vector<1000x128xf32>
    %add3A_40 = arith.addf %add3A_35, %add3A_39 : vector<1000x128xf32>
    %max3A_41 = arith.constant 0.000000e+00 : f32
    %max3A_42 = vector.broadcast %max3A_41 : f32 to vector<1000x128xf32>
    %max3A_43 = arith.maximumf %add3A_40, %max3A_42 : vector<1000x128xf32>
    %swap3A = arith.constant 0 : index
    %swap3A_44 = arith.constant 0 : index
    %swap3A_45 = vector.load %arg11[%swap3A, %swap3A_44] : memref<1000x128xf32, #tpu.memory_space<vmem>>, vector<1000x128xf32>
    tpu.vector_store %arg11[%swap3A, %swap3A_44], %max3A_43 {strides = array<i32>} : memref<1000x128xf32, #tpu.memory_space<vmem>>, vector<1000x128xf32>,
    %get3A_46 = arith.constant 0 : index
    %get3A_47 = arith.constant 0 : index
    %get3A_48 = vector.load %arg9[%get3A_46, %get3A_47] : memref<128x128xf32, #tpu.memory_space<vmem>>, vector<128x128xf32>
    %dot_general3A_49 = arith.constant dense<0.000000e+00> : vector<1000x128xf32>
    %dot_general3A_50 = tpu.matmul %max3A_43, %get3A_48, %dot_general3A_49 {dimension_numbers = #tpu.dot_dimension_numbers<[1], [0], [0], [1], [0, 0, 1, 1], [], []>, transpose_lhs_hint = false} : vector<1000x128xf32>, vector<128x128xf32>, vector<1000x128xf32> -> vector<1000x128xf32>
    %get3A_51 = arith.constant 0 : index
    %get3A_52 = arith.constant 0 : index
    %get3A_53 = vector.load %arg10[%get3A_51, %get3A_52] : memref<1x128xf32, #tpu.memory_space<vmem>>, vector<1x128xf32>
    %add3A_54 = vector.broadcast %get3A_53 : vector<1x128xf32> to vector<1000x128xf32>
    %add3A_55 = arith.addf %dot_general3A_50, %add3A_54 : vector<1000x128xf32>
    %swap3A_56 = arith.constant 0 : index
    %swap3A_57 = arith.constant 0 : index
    %swap3A_58 = vector.load %arg12[%swap3A_56, %swap3A_57] : memref<1000x128xf32, #tpu.memory_space<vmem>>, vector<1000x128xf32>
    tpu.vector_store %arg12[%swap3A_56, %swap3A_57], %add3A_55 {strides = array<i32>} : memref<1000x128xf32, #tpu.memory_space<vmem>>, vector<1000x128xf32>,
    return
  }
  func.func @transform_0(%arg0: i32) -> (i32, i32) {
    %c0_i32 = arith.constant 0 : i32
    %c0_i32_0 = arith.constant 0 : i32
    return %arg0, %c0_i32 : i32, i32
  }
  func.func @transform_1(%arg0: i32) -> (i32, i32, i32) {
    %c0_i32 = arith.constant 0 : i32
    %c0_i32_0 = arith.constant 0 : i32
    %c0_i32_1 = arith.constant 0 : i32
    return %c0_i32, %arg0, %c0_i32_0 : i32, i32, i32
  }
  func.func @transform_2(%arg0: i32) -> (i32, i32, i32) {
    %c1_i32 = arith.constant 1 : i32
    %c0_i32 = arith.constant 0 : i32
    %c0_i32_0 = arith.constant 0 : i32
    return %c1_i32, %arg0, %c0_i32 : i32, i32, i32
  }
  func.func @transform_3(%arg0: i32) -> (i32, i32, i32) {
    %c0_i32 = arith.constant 0 : i32
    %c0_i32_0 = arith.constant 0 : i32
    %c0_i32_1 = arith.constant 0 : i32
    return %c0_i32, %arg0, %c0_i32_0 : i32, i32, i32
  }
  func.func @transform_4(%arg0: i32) -> (i32, i32, i32) {
    %c1_i32 = arith.constant 1 : i32
    %c0_i32 = arith.constant 0 : i32
    %c0_i32_0 = arith.constant 0 : i32
    return %c1_i32, %arg0, %c0_i32 : i32, i32, i32
  }
  func.func @transform_5(%arg0: i32) -> (i32, i32) {
    %c0_i32 = arith.constant 0 : i32
    %c0_i32_0 = arith.constant 0 : i32
    %c0_i32_1 = arith.constant 0 : i32
    return %c0_i32, %c0_i32_0 : i32, i32
  }
  func.func @transform_6(%arg0: i32) -> (i32, i32) {
    %c0_i32 = arith.constant 0 : i32
    %c0_i32_0 = arith.constant 0 : i32
    %c0_i32_1 = arith.constant 0 : i32
    return %c0_i32, %c0_i32_0 : i32, i32
  }
  func.func @transform_7(%arg0: i32) -> (i32, i32) {
    %c0_i32 = arith.constant 0 : i32
    %c0_i32_0 = arith.constant 0 : i32
    %c0_i32_1 = arith.constant 0 : i32
    return %c0_i32, %c0_i32_0 : i32, i32
  }
  func.func @transform_8(%arg0: i32) -> (i32, i32) {
    %c0_i32 = arith.constant 0 : i32
    %c0_i32_0 = arith.constant 0 : i32
    %c0_i32_1 = arith.constant 0 : i32
    return %c0_i32, %c0_i32_0 : i32, i32
  }
  func.func @transform_9(%arg0: i32) -> (i32, i32) {
    %c0_i32 = arith.constant 0 : i32
    %c0_i32_0 = arith.constant 0 : i32
    %c0_i32_1 = arith.constant 0 : i32
    return %c0_i32, %c0_i32_0 : i32, i32
  }
  func.func @transform_10(%arg0: i32) -> (i32, i32) {
    %c0_i32 = arith.constant 0 : i32
    %c0_i32_0 = arith.constant 0 : i32
    return %arg0, %c0_i32 : i32, i32
  }
  func.func @transform_11(%arg0: i32) -> (i32, i32) {
    %c0_i32 = arith.constant 0 : i32
    %c0_i32_0 = arith.constant 0 : i32
    return %arg0, %c0_i32 : i32, i32
  }
}

module attributes {stable_mosaic.version = 14 : i64} {
  func.func @body(%arg0: i32, %arg1: memref<1000x128xf32, #tpu.memory_space<vmem>>, %arg2: memref<1x1000x128xf32, #tpu.memory_space<vmem>>, %arg3: memref<1x1000x128xf32, #tpu.memory_space<vmem>>, %arg4: memref<1x1000x1xf32, #tpu.memory_space<vmem>>, %arg5: memref<1x1000x1xf32, #tpu.memory_space<vmem>>, %arg6: memref<128x128xf32, #tpu.memory_space<vmem>>, %arg7: memref<1000x128xf32, #tpu.memory_space<vmem>>) attributes {dimension_semantics = [#tpu.dimension_semantics<arbitrary>], iteration_bounds = array<i64: 10>, scalar_prefetch = 0 : i64, scratch_operands = 0 : i64, tpu.core_type = #tpu.core_type<tc>, window_params = [{transform_indices = @transform_0, window_bounds = array<i64: 1000, 128>}, {transform_indices = @transform_1, window_bounds = array<i64: 1, 1000, 128>}, {transform_indices = @transform_2, window_bounds = array<i64: 1, 1000, 128>}, {transform_indices = @transform_3, window_bounds = array<i64: 1, 1000, 1>}, {transform_indices = @transform_4, window_bounds = array<i64: 1, 1000, 1>}, {pipeline_mode = #tpu.pipeline_mode<synchronous>, transform_indices = @transform_5, window_bounds = array<i64: 128, 128>}, {transform_indices = @transform_6, window_bounds = array<i64: 1000, 128>}]} {
    %get3A = arith.constant 0 : index
    %get3A_0 = arith.constant 0 : index
    %get3A_1 = arith.constant 0 : index
    %get3A_2 = vector.load %arg4[%get3A, %get3A_0, %get3A_1] : memref<1x1000x1xf32, #tpu.memory_space<vmem>>, vector<1x1000x1xf32>
    %get3A_3 = vector.shape_cast %get3A_2 : vector<1x1000x1xf32> to vector<1000x1xf32>
    %get3A_4 = arith.constant 0 : index
    %get3A_5 = arith.constant 0 : index
    %get3A_6 = arith.constant 0 : index
    %get3A_7 = vector.load %arg5[%get3A_4, %get3A_5, %get3A_6] : memref<1x1000x1xf32, #tpu.memory_space<vmem>>, vector<1x1000x1xf32>
    %get3A_8 = vector.shape_cast %get3A_7 : vector<1x1000x1xf32> to vector<1000x1xf32>
    %add3A = arith.addf %get3A_3, %get3A_8 : vector<1000x1xf32>
    %max3A = arith.constant 1.000000e+00 : f32
    %max3A_9 = vector.broadcast %max3A : f32 to vector<1000x1xf32>
    %max3A_10 = arith.maximumf %add3A, %max3A_9 : vector<1000x1xf32>
    %get3A_11 = arith.constant 0 : index
    %get3A_12 = arith.constant 0 : index
    %get3A_13 = arith.constant 0 : index
    %get3A_14 = vector.load %arg2[%get3A_11, %get3A_12, %get3A_13] : memref<1x1000x128xf32, #tpu.memory_space<vmem>>, vector<1x1000x128xf32>
    %get3A_15 = vector.shape_cast %get3A_14 : vector<1x1000x128xf32> to vector<1000x128xf32>
    %get3A_16 = arith.constant 0 : index
    %get3A_17 = arith.constant 0 : index
    %get3A_18 = arith.constant 0 : index
    %get3A_19 = vector.load %arg3[%get3A_16, %get3A_17, %get3A_18] : memref<1x1000x128xf32, #tpu.memory_space<vmem>>, vector<1x1000x128xf32>
    %get3A_20 = vector.shape_cast %get3A_19 : vector<1x1000x128xf32> to vector<1000x128xf32>
    %add3A_21 = arith.addf %get3A_15, %get3A_20 : vector<1000x128xf32>
    %div3A = vector.broadcast %max3A_10 : vector<1000x1xf32> to vector<1000x128xf32>
    %div3A_22 = arith.divf %add3A_21, %div3A : vector<1000x128xf32>
    %get3A_23 = arith.constant 0 : index
    %get3A_24 = arith.constant 0 : index
    %get3A_25 = vector.load %arg1[%get3A_23, %get3A_24] : memref<1000x128xf32, #tpu.memory_space<vmem>>, vector<1000x128xf32>
    %get3A_26 = arith.constant 0 : index
    %get3A_27 = arith.constant 0 : index
    %get3A_28 = vector.load %arg6[%get3A_26, %get3A_27] : memref<128x128xf32, #tpu.memory_space<vmem>>, vector<128x128xf32>
    %dot_general3A = arith.constant dense<0.000000e+00> : vector<1000x128xf32>
    %dot_general3A_29 = tpu.matmul %div3A_22, %get3A_28, %dot_general3A {dimension_numbers = #tpu.dot_dimension_numbers<[1], [0], [0], [1], [0, 0, 1, 1], [], []>, transpose_lhs_hint = false} : vector<1000x128xf32>, vector<128x128xf32>, vector<1000x128xf32> -> vector<1000x128xf32>
    %add3A_30 = arith.addf %get3A_25, %dot_general3A_29 : vector<1000x128xf32>
    %swap3A = arith.constant 0 : index
    %swap3A_31 = arith.constant 0 : index
    %swap3A_32 = vector.load %arg7[%swap3A, %swap3A_31] : memref<1000x128xf32, #tpu.memory_space<vmem>>, vector<1000x128xf32>
    tpu.vector_store %arg7[%swap3A, %swap3A_31], %add3A_30 {strides = array<i32>} : memref<1000x128xf32, #tpu.memory_space<vmem>>, vector<1000x128xf32>,
    return
  }
  func.func @transform_0(%arg0: i32) -> (i32, i32) {
    %c0_i32 = arith.constant 0 : i32
    %c0_i32_0 = arith.constant 0 : i32
    return %arg0, %c0_i32 : i32, i32
  }
  func.func @transform_1(%arg0: i32) -> (i32, i32, i32) {
    %c0_i32 = arith.constant 0 : i32
    %c0_i32_0 = arith.constant 0 : i32
    %c0_i32_1 = arith.constant 0 : i32
    return %c0_i32, %arg0, %c0_i32_0 : i32, i32, i32
  }
  func.func @transform_2(%arg0: i32) -> (i32, i32, i32) {
    %c1_i32 = arith.constant 1 : i32
    %c0_i32 = arith.constant 0 : i32
    %c0_i32_0 = arith.constant 0 : i32
    return %c1_i32, %arg0, %c0_i32 : i32, i32, i32
  }
  func.func @transform_3(%arg0: i32) -> (i32, i32, i32) {
    %c0_i32 = arith.constant 0 : i32
    %c0_i32_0 = arith.constant 0 : i32
    %c0_i32_1 = arith.constant 0 : i32
    return %c0_i32, %arg0, %c0_i32_0 : i32, i32, i32
  }
  func.func @transform_4(%arg0: i32) -> (i32, i32, i32) {
    %c1_i32 = arith.constant 1 : i32
    %c0_i32 = arith.constant 0 : i32
    %c0_i32_0 = arith.constant 0 : i32
    return %c1_i32, %arg0, %c0_i32 : i32, i32, i32
  }
  func.func @transform_5(%arg0: i32) -> (i32, i32) {
    %c0_i32 = arith.constant 0 : i32
    %c0_i32_0 = arith.constant 0 : i32
    %c0_i32_1 = arith.constant 0 : i32
    return %c0_i32, %c0_i32_0 : i32, i32
  }
  func.func @transform_6(%arg0: i32) -> (i32, i32) {
    %c0_i32 = arith.constant 0 : i32
    %c0_i32_0 = arith.constant 0 : i32
    return %arg0, %c0_i32 : i32, i32
  }
}

</mosaic_0001>

<sc_bundles>
// kernel: kernel.6.cloned.1.call-start
scs
__scs_entry_jumppad:
0x0: {  	(pc) =	sbr.rel $0x88, $3  }
0x1: {  	(tag) =	ssettag $0x0;
	lr =	simm.s32 $0x1  }
0x2: {  	[smem:$0x3F99] =	sst lr;
	_ =	strace $0xD0000000  }
0x3: {  	_ = 	snop  }
0x4: {  	_ = 	snop  }
0x5: {  	_ = 	snop  }
0x6: {  	_ = 	snop  }
0x7: {  	_ = 	snop  }
__scs_overlays_trampoline_lowered:
0x8: {  	[smem:$0x3FA8] =	sst s0  }
0x9: {  	[smem:$0x3FA9] =	sst s1  }
0xa: {  	[smem:$0x3FAA] =	sst s2  }
0xb: {  	[smem:$0x3FAB] =	sst s3  }
0xc: {  	[smem:$0x3FAC] =	sst s4  }
0xd: {  	[smem:$0x3FAD] =	sst s5  }
0xe: {  	[smem:$0x3FAE] =	sst s6  }
0xf: {  	[smem:$0x3FAF] =	sst s7  }
0x10: {  	[smem:$0x3FB0] =	sst s8  }
0x11: {  	[smem:$0x3FB1] =	sst s9;
	s0 =	simm.s32 @!p0 $0x0  }
0x12: {  	s1 =	sld [smem:$0x3F97];
	s0 =	simm.s32 @p0 $0x1  }
0x13: {  	[smem:$0x3FB2] =	sst s0;
	s0 =	simm.s32 @!p1 $0x0  }
0x14: {  	s2 =	sld [smem:$0x3F96];
	s0 =	simm.s32 @p1 $0x1  }
0x15: {  	[smem:$0x3FB3] =	sst s0;
	s0 =	simm.s32 @!p2 $0x0  }
0x16: {  	s3 =	sld [smem:$0x3FDB];
	s0 =	simm.s32 @p2 $0x1  }
0x17: {  	s4 =	simm.s32 $0x1BF5;
	[smem:$0x3FB5] =	sst s0  }
0x18: {  	s0 =	sld [smem:$0x3F98];
	_ =	swait.ge [sflag:s4], $0x0  }
0x19: {  	s7 =	sld [smem:$0x3F99]  }
0x1a: {  	s8 =	sadd.s32 $0xFFFFE003, lr  }
0x1b: {  	s9 =	sadd.s32 $0xFFFFFEF7, lr;
	s5 =	simm.s32 $0xFFFFFFFF;
	p2 =	slt.u32 s8, $0xFFFFF086  }
0x1c: {  	p1 =	slt.u32 s9, $0xF7A;
	s5 =	simm.s32 @!p2 $0x0  }
0x1d: {  	s5 =	simm.s32 @p1 $0x1;
	p0 =	seq.s32 s7, s2  }
0x1e: {  	s7 =	smul.u32 @!p0 $0xF7A, s2;
	p2 =	seq.s32 @!p0 s5, $0x0  }
0x1f: {  	s9 =	smul.u32 $0xF7A, s1;
	s8 =	simm.s32 @!p0 $0x1BF5;
	p2 =	por !p2, p0  }
0x20: {  	[sflag:s8] =	ssyncset.s32 @!p0 $0xFFFFF086;
	s6 =	sadd.s32 @!p0 s3, s7;
	s7 =	simm.s32 @!p0 $0x108  }
0x21: {  	s3 =	sadd.s32 s3, s9;
	s6 =	sadd.s32 @!p0 $0x88, s6;
	s7 =	simm.s32 @p2 $0x1082  }
0x22: {  	[simem:s7], [sflag:s8] =	dma.local @!p0 [hbm:s6], $0xF7A  }
0x23: {  	s9 =	sor.u32 $0xD0000000, s2;
	s6 =	simm.s32 $0x108;
	_ =	swait.ge @!p0 [sflag:s8], $0x0  }
0x24: {  	s3 =	sadd.s32 $0x88, s3;
	s6 =	simm.s32 @!p1 $0x1082;
	[sflag:s4] =	ssyncset.s32 $0xFFFFF086  }
0x25: {  	[simem:s6], [sflag:s4] =	dma.local [hbm:s3], $0xF7A  }
0x26: {  	[smem:$0x3F99] =	sst s1;
	(tag) =	ssettag s2;
	_ =	strace s9  }
0x27: {  	s1 =	sld [smem:$0x3FA9]  }
0x28: {  	s2 =	sld [smem:$0x3FAA]  }
0x29: {  	s4 =	sld [smem:$0x3FAC]  }
0x2a: {  	p0 =	seq.s32 s5, $0x0;
	s5 =	sld [smem:$0x3FAD]  }
0x2b: {  	s6 =	sld [smem:$0x3FAE]  }
0x2c: {  	s7 =	sld [smem:$0x3FAF]  }
0x2d: {  	s3 =	simm.s32 $0x108;
	s8 =	sld [smem:$0x3FB0]  }
0x2e: {  	s3 =	simm.s32 @!p0 $0x1082;
	s9 =	sld [smem:$0x3FB1]  }
0x2f: {  	lr =	sadd.s32 s0, s3;
	s0 =	sld [smem:$0x3FA8]  }
0x30: {  	s3 =	sld [smem:$0x3FAB]  }
0x31: {  	[smem:$0x3FB4] =	sst s10  }
0x32: {  	s10 =	sld [smem:$0x3FB2];
	_ =	sdelay $0x3  }
0x33: {  	p0 =	seq.s32 s10, $0x1;
	s10 =	sld [smem:$0x3FB4];
	_ =	sdelay $0x3  }
0x34: {  	[smem:$0x3FB4] =	sst s10  }
0x35: {  	s10 =	sld [smem:$0x3FB3];
	_ =	sdelay $0x3  }
0x36: {  	p1 =	seq.s32 s10, $0x1;
	s10 =	sld [smem:$0x3FB4];
	_ =	sdelay $0x3  }
0x37: {  	[smem:$0x3FB4] =	sst s10  }
0x38: {  	s10 =	sld [smem:$0x3FB5]  }
0x39: {  	_ = 	snop;
	(pc) =	sbr.ind lr, $3  }
0x3a: {  	_ = 	snop  }
0x3b: {  	_ = 	snop  }
0x3c: {  	p2 =	seq.s32 s10, $0x1;
	s10 =	sld [smem:$0x3FB4]  }
0x3d: {  	_ =	shalt  }
0x3e: {  	_ =	shalt  }
0x3f: {  	_ =	shalt  }
0x40: {  	_ =	shalt  }
0x41: {  	_ =	shalt  }
0x42: {  	_ =	shalt  }
0x43: {  	_ =	shalt  }
0x44: {  	_ =	shalt  }
0x45: {  	_ =	shalt  }
0x46: {  	_ =	shalt  }
0x47: {  	_ =	shalt  }
0x48: {  	_ =	shalt  }
0x49: {  	_ =	shalt  }
0x4a: {  	_ =	shalt  }
0x4b: {  	_ =	shalt  }
0x4c: {  	_ =	shalt  }
0x4d: {  	_ =	shalt  }
0x4e: {  	_ =	shalt  }
0x4f: {  	_ =	shalt  }
0x50: {  	_ =	shalt  }
0x51: {  	_ =	shalt  }
0x52: {  	_ =	shalt  }
0x53: {  	_ =	shalt  }
0x54: {  	_ =	shalt  }
0x55: {  	_ =	shalt  }
0x56: {  	_ =	shalt  }
0x57: {  	_ =	shalt  }
0x58: {  	_ =	shalt  }
0x59: {  	_ =	shalt  }
0x5a: {  	_ =	shalt  }
0x5b: {  	_ =	shalt  }
0x5c: {  	_ =	shalt  }
0x5d: {  	_ =	shalt  }
0x5e: {  	_ =	shalt  }
0x5f: {  	_ =	shalt  }
0x60: {  	_ =	shalt  }
0x61: {  	_ =	shalt  }
0x62: {  	_ =	shalt  }
0x63: {  	_ =	shalt  }
0x64: {  	_ =	shalt  }
0x65: {  	_ =	shalt  }
0x66: {  	_ =	shalt  }
0x67: {  	_ =	shalt  }
0x68: {  	_ =	shalt  }
0x69: {  	_ =	shalt  }
0x6a: {  	_ =	shalt  }
0x6b: {  	_ =	shalt  }
0x6c: {  	_ =	shalt  }
0x6d: {  	_ =	shalt  }
0x6e: {  	_ =	shalt  }
0x6f: {  	_ =	shalt  }
0x70: {  	_ =	shalt  }
0x71: {  	_ =	shalt  }
0x72: {  	_ =	shalt  }
0x73: {  	_ =	shalt  }
0x74: {  	_ =	shalt  }
0x75: {  	_ =	shalt  }
0x76: {  	_ =	shalt  }
0x77: {  	_ =	shalt  }
0x78: {  	_ =	shalt  }
0x79: {  	_ =	shalt  }
0x7a: {  	_ =	shalt  }
0x7b: {  	_ =	shalt  }
0x7c: {  	_ =	shalt  }
0x7d: {  	_ =	shalt  }
0x7e: {  	_ =	shalt  }
0x7f: {  	_ =	shalt  }
0x80: {  	_ =	shalt  }
0x81: {  	_ =	shalt  }
0x82: {  	_ =	shalt  }
0x83: {  	_ =	shalt  }
0x84: {  	_ =	shalt  }
0x85: {  	_ =	shalt  }
0x86: {  	_ =	shalt  }
0x87: {  	_ =	shalt  }
.Lfunc_end0:
.L_simem_size_0:
called_computation_lowered:
.L_overlay_start_0:
0x88: {  	s2 =	sld [smem:$0x3FD9]  }
0x89: {  	s3 =	sld [smem:$0x3FFE];
	_ =	sdelay $0x1  }
0x8a: {  	s1 =	srdreg.scid  }
0x8b: {  	s0 =	sand.u32 $0x1, s1  }
0x8c: {  	s17 =	sshll.u32 s0, $0xA;
	s2 =	sadd.s32 s3, s2  }
0x8d: {  	s2 =	sadd.s32 s2, s17  }
0x8e: {  	[smem:$0x3FC0] =	sst s2  }
0x8f: {  	_ = 	snop  }
0x90: {  	s2 =	sld [smem:$0x3FC9]  }
0x91: {  	s18 =	sld [smem:$0x3FD0];
	(tm) =	ssettm $0x1  }
0x92: {  	s4 =	sld [smem:$0x3FFB];
	_ =	sdelay $0x3  }
0x93: {  	_ =	strace s4  }
0x94: {  	s4 =	sld [smem:$0x3FFC];
	_ =	sdelay $0x3  }
0x95: {  	_ =	strace s4  }
0x96: {  	s4 =	sld [smem:$0x3FFD];
	_ =	sdelay $0x3  }
0x97: {  	_ =	strace s4  }
0x98: {  	_ =	strace $0x8FFFFFFF  }
0x99: {  	s19 =	sld [smem:$0x3FDB];
	_ =	sdelay $0x1  }
0x9a: {  	s5 =	simm.s32 $_scs_section_size  }
0x9b: {  	s6 =	simm.s32 $_size__tile_overlayer_lowered;
	s7 =	simm.s32 $_tile_overlayer_lowered  }
0x9c: {  	s22 =	simm.s32 $0x1BFF;
	s21 =	sshll.u32 s7, $0x1;
	s4 =	sadd.s32 s5, s19  }
0x9d: {  	s8 =	simm.s32 $0x0;
	s20 =	sshll.u32 s6, $0x1;
	s6 =	sadd.s32 s21, s4  }
0x9e: {  	[timem:s8], [sflag:s22] =	dma.local [hbm:s6], s20  }
0x9f: {  	_ =	swait.ge [sflag:s22], s20  }
0xa0: {  	s5 =	ssub.s32 $0x0, s20;
	[sflag:s22] =	ssyncset.done $0x0  }
0xa1: {  	[sflag:s22] =	ssyncadd.s32 s5;
	_ =	sdelay $0x1  }
0xa2: {  	s23 =	simm.s32 $0x1B8B  }
0xa3: {  	_ =	swait.ge [sflag:s23], $0x1  }
0xa4: {  	[sflag:s23] =	ssyncset.done $0x0  }
0xa5: {  	s25 =	simm.s32 $0x1B8E;
	s24 =	sld [smem:$0x3FFE];
	[sflag:s23] =	ssyncadd.s32 $0xFFFFFFFF  }
0xa6: {  	s26 =	simm.s32 $execute0_lowered;
	[smem:$0x3FD2] =	sst s25  }
0xa7: {  	s6 =	sshll.u32 s26, $0x1;
	_ =	strace $0x80000046;
	[dreg:$0x1] =	wrdreg $0xFFFFFFFF  }
0xa8: {  	s28 =	simm.s32 $_size_execute0_lowered;
	s4 =	sadd.s32 s4, s6;
	[dreg:$0x0] =	wrdreg $0x0  }
0xa9: {  	s6 =	sshll.u32 s28, $0x1;
	[dreg:$0x2] =	wrdreg s4  }
0xaa: {  	[dreg:$0x3] =	wrdreg s6  }
0xab: {  	[dreg:$0x4] =	wrdreg $0xC0  }
0xac: {  	_ =	task [dreg:s8], $0x5FFFF  }
0xad: {  	[dreg:$0x1] =	wrdreg $0xFFFFFFFF  }
0xae: {  	[dreg:$0x0] =	wrdreg $0x60  }
0xaf: {  	[dreg:$0x2] =	wrdreg s2  }
0xb0: {  	[dreg:$0x3] =	wrdreg s24  }
0xb1: {  	[dreg:$0x4] =	wrdreg s18  }
0xb2: {  	[dreg:$0x5] =	wrdreg $0xB3800  }
0xb3: {  	[dreg:$0x6] =	wrdreg $0x1F3800  }
0xb4: {  	[dreg:$0x7] =	wrdreg $0x9  }
0xb5: {  	_ =	task.clear_ibuf [dreg:s8], $0x8FFFF;
	_ =	strace $0x90000046  }
0xb6: {  	s29 =	simm.s32 $0x9;
	_ =	strace $0x80000048  }
0xb7: {  	_ =	swait.ge [sflag:s29], $0x1  }
0xb8: {  	[sflag:s29] =	ssyncadd.s32 $0xFFFFFFFF  }
0xb9: {  	_ =	strace $0x90000048  }
0xba: {  	_ =	sfence  }
0xbb: {  	s30 =	sld [smem:$0x0];
	_ =	sdelay $0x2  }
0xbc: {  	s31 =	sshll.u32 s1, $0xD;
	s1 =	sshrl.u32 s1, $0x2  }
0xbd: {  	s3 =	sand.u32 $0x4000, s31;
	s1 =	sadd.s32 s1, s30  }
0xbe: {  	s0 =	sor.u32 s3, s0;
	s1 =	sshll.u32 s1, $0x11  }
0xbf: {  	s0 =	sor.u32 s1, s0  }
0xc0: {  	s0 =	sadd.s32 $0x8F2B, s0  }
0xc1: {  	[sflag:s0] =	ssyncadd.remote.s32 $0x1  }
0xc2: {  	_ =	sfence.sel $0xFFFF  }
0xc3: {  	[dreg:$0x0] =	wrdreg $0xFFFFFFFF;
	(pc) =	sbr.abs _section_cstart, $3  }
0xc4: {  	[dreg:$0x1] =	wrdreg $0xFFFFFFFF  }
0xc5: {  	_ =	task.clear_ibuf [dreg:s8], $0x2FFFF;
	_ =	strace $0x9FFFFFFF  }
0xc6: {  	(tm) =	ssettm $0x7FFFFFFF  }
0xc7: {  	_ =	shalt  }
tec
execute0_lowered:
.L_overlay_start_1:
0x0: {  	(tag) =	ssettag $0x1  }
0x1: {  	s1 =	rddreg [dreg:$0x0]  }
0x2: {  	s0 =	rddreg [dreg:$0x1]  }
0x3: {  	s2 =	srdreg.scid;
	s6 =	rddreg [dreg:$0x2]  }
0x4: {  	s16 =	stileid.u32;
	s3 =	rddreg [dreg:$0x3]  }
0x5: {  	s5 =	simm.s32 $0x0;
	s28 =	simm.s32 $0x6;
	s9 =	smul.u32 $0x14000, s16  }
0x6: {  	s29 =	simm.s32 $0x7;
	s30 =	simm.s32 $0x8B00;
	s10 =	smul.u32 $0x280, s16  }
0x7: {  	s31 =	simm.s32 $0x9F00;
	s2 =	sand.u32 $0x1, s2;
	s15 =	smul.u32 $0x50000, s16  }
0x8: {  	s4 =	sshll.u32 s16, $0x1;
	[smem:$0x7FF] =	sst s5;
	s19 =	smul.u32 $0x500, s16  }
0x9: {  	s7 =	sor.u32 s2, s4;
	s4 =	rddreg [dreg:$0x4];
	s13 =	smul.u32 $0x140000, s2  }
0xa: {  	_ =	strace $0x80000047;
	s26 =	ssub.s32 $0x2, s2;
	s8 =	smul.u32 $0x4E2, s7  }
0xb: {  	s2 =	sshll.u32 s2, $0x7;
	s7 =	smul.u32 $0x5, s7;
	s11 =	sshrl.u32 s9, $0x3  }
0xc: {  	s12 =	sshrl.u32 s10, $0x3;
	s14 =	sshrl.u32 s26, $0x1;
	s18 =	sshrl.u32 s15, $0x2  }
0xd: {  	s2 =	sor.u32 s2, s19;
	s22 =	sadd.s32 s10, s4;
	s11 =	sadd.s32 s11, s0  }
0xe: {  	s12 =	sadd.s32 s12, s0;
	s9 =	sadd.s32 s9, s13;
	s14 =	ssub.s32 s26, s14  }
0xf: {  	s20 =	sadd.s32 s18, s3;
	s2 =	sshrl.u32 s2, $0x3;
	s18 =	simm.s32 $0xB300  }
0x10: {  	s8 =	sadd.s32 s8, s0;
	s7 =	sadd.s32 s7, s0;
	s9 =	sshrl.u32 s9, $0x3  }
0x11: {  	s11 =	sadd.s32 $0x16200, s11;
	s23 =	sadd.s32 $0x15C00, s12;
	s24 =	sadd.s32 s6, s2  }
0x12: {  	s25 =	smax.u32 s14, $0x1;
	s2 =	simm.s32 $0x2;
	[dreg:$0x8] =	wrdreg s11  }
0x13: {  	s6 =	simm.s32 $0x8;
	s0 =	sadd.s32 s9, s0;
	[dreg:$0xb] =	wrdreg s23  }
0x14: {  	s17 =	sadd.s32 $0xBC00, s8;
	s8 =	sadd.s32 $0x1E00, s8;
	[dreg:$0xd] =	wrdreg s24  }
0x15: {  	s7 =	sadd.s32 $0x15A00, s7;
	[dreg:$0xe] =	wrdreg s25;
	s23 =	simm.s32 $0x4F00  }
0x16: {  	s24 =	simm.s32 $0x6300;
	s25 =	simm.s32 $0x4;
	[dreg:$0x6] =	wrdreg s17  }
0x17: {  	s11 =	simm.s32 $0x0;
	[dreg:$0x7] =	wrdreg s8;
	s8 =	sshll.u32 s16, $0x6  }
0x18: {  	[dreg:$0xa] =	wrdreg s7;
	s0 =	sadd.s32 $0x3E200, s0;
	s17 =	sshrl.u32 s20, $0x3  }
0x19: {  	s20 =	sshrl.u32 s22, $0x3;
	s22 =	simm.s32 $0x28;
	s16 =	simm.s32 $0x3  }
0x1a: {  	s7 =	simm.s32 $0x5;
	s21 =	sor.u32 $0x1C06, s8;
	[dreg:$0xc] =	wrdreg s0  }
0x1b: {  	s26 =	sor.u32 $0x1C07, s8;
	s0 =	simm.s32 $0xB;
	[dreg:$0x9] =	wrdreg s21  }
0x1c: {  	[dreg:$0xf] =	wrdreg s26;
	s21 =	simm.s32 $0x1;
	s26 =	simm.s32 $0x7700  }
.LBB2_1:
0x1d: {  	s9 =	rddreg [dreg:$0x6]  }
0x1e: {  	s12 =	rddreg [dreg:$0x7]  }
0x1f: {  	s13 =	rddreg [dreg:$0x8]  }
0x20: {  	[tilespmem:s5], [sflag:$0x1] =	stream.linear.gather [hbm4b:s9+s5], $0x2710, $0x38;
	[tilespmem:$0x1F600] =	vst v63  }
0x21: {  	s10 =	simm.s32 $0x2780;
	s14 =	rddreg [dreg:$0x9]  }
0x22: {  	[tilespmem:s10], [sflag:$0x1] =	stream.linear.gather [hbm4b:s12+s5], $0x2710, $0x38;
	[tilespmem:$0x1F600] =	vst v63  }
0x23: {  	[spmem:s17], [sflag:s14] =	dma.local [hbm:s13], $0x2800  }
0x24: {  	s9 =	rddreg [dreg:$0xa]  }
0x25: {  	s15 =	rddreg [dreg:$0xb]  }
0x26: {  	s10 =	rddreg [dreg:$0xf]  }
0x27: {  	[tilespmem:s18], [sflag:$0x7] =	stream.linear.gather [hbm4b:s9+s5], $0x28, $0x38;
	[tilespmem:$0x1F600] =	vst v63  }
0x28: {  	[spmem:s20], [sflag:s10] =	dma.local [hbm:s15], $0x50  }
0x29: {  	_ =	swait.ge [sflag:s21], $0x2710  }
0x2a: {  	[sflag:s21] =	ssyncset.done $0x0  }
0x2b: {  	[sflag:s21] =	ssyncadd.s32 $0xFFFFD8F0  }
0x2c: {  	_ =	swait.ge [sflag:s21], $0x2710  }
0x2d: {  	[sflag:s21] =	ssyncset.done $0x0  }
0x2e: {  	[sflag:s21] =	ssyncadd.s32 $0xFFFFD8F0  }
0x2f: {  	[tilespmem:s23], [sflag:$0x1] =	stream.indirect.gather [hbm4b:s1+s22], $0x80, s5, s22, $0xb8;
	[tilespmem:$0x1F600] =	vst v63  }
0x30: {  	_ = 	snop  }
0x31: {  	[tilespmem:s24], [sflag:$0x2] =	stream.indirect.gather [hbm4b:s1+s22], $0x80, s22, s22, $0xb8;
	[tilespmem:$0x1F600] =	vst v63  }
0x32: {  	s19 =	simm.s32 $0x50  }
0x33: {  	[tilespmem:s26], [sflag:$0x3] =	stream.indirect.gather [hbm4b:s1+s22], $0x80, s19, s22, $0xb8;
	[tilespmem:$0x1F600] =	vst v63  }
0x34: {  	_ =	swait.ge [sflag:s28], $0x2800  }
0x35: {  	[sflag:s28] =	ssyncset.done $0x0  }
0x36: {  	[sflag:s28] =	ssyncadd.s32 $0xFFFFD800  }
0x37: {  	_ =	swait.ge [sflag:s29], $0x28  }
0x38: {  	[sflag:s29] =	ssyncset.done $0x0  }
0x39: {  	[sflag:s29] =	ssyncadd.s32 $0xFFFFFFD8  }
0x3a: {  	_ =	swait.ge [sflag:s29], $0x50  }
0x3b: {  	p0 =	por $0x1, $0x1;
	[sflag:s29] =	ssyncset.done $0x0  }
0x3c: {  	p0 =	por p0, p0;
	[sflag:s29] =	ssyncadd.s32 $0xFFFFFFB0  }
0x3d: {  	s12 =	simm.s32 @!p0 $0x9;
	[bflag:$0x0] =	sbarrier.arrive $0xFFFF  }
0x3e: {  	_ =	swait.ge @!p0 [sflag:s12], $0x1400  }
0x3f: {  	[sflag:s12] =	ssyncset.done @!p0 $0x0  }
0x40: {  	[sflag:s12] =	ssyncadd.s32 @!p0 $0xFFFFEC00;
	s12 =	simm.s32 @!p0 $0xB  }
0x41: {  	_ =	swait.ge @!p0 [sflag:s12], $0x28  }
0x42: {  	[sflag:s12] =	ssyncset.done @!p0 $0x0  }
0x43: {  	s13 =	simm.s32 $0x78;
	[sflag:s12] =	ssyncadd.s32 @!p0 $0xFFFFFFD8  }
0x44: {  	[tilespmem:s30], [sflag:$0x4] =	stream.indirect.gather [hbm4b:s1+s22], $0x80, s13, s22, $0xb8;
	[tilespmem:$0x1F600] =	vst v63  }
0x45: {  	_ =	swait.ge [sflag:s21], $0x1400  }
0x46: {  	[sflag:s21] =	ssyncset.done $0x0  }
0x47: {  	s10 =	simm.s32 $0x2780;
	[sflag:s21] =	ssyncadd.s32 $0xFFFFEC00  }
0x48: {  	[spmem:s3] =	stream.indirect.scatter.add.f32 [tilespmem:s23], [sflag:$0x6], $0x80, s10, s22, $0xb8;
	[tilespmem:$0x1F600] =	vst v63  }
0x49: {  	s14 =	simm.s32 @!p0 $0xA  }
0x4a: {  	[spmem:s4] =	stream.indirect.scatter.add.f32 [tilespmem:s18], [sflag:$0xB], $0x1, s10, s22, $0xb8;
	[tilespmem:$0x1F600] =	vst v63  }
0x4b: {  	_ =	swait.ge @!p0 [sflag:s14], $0x1400  }
0x4c: {  	[sflag:s14] =	ssyncset.done @!p0 $0x0  }
0x4d: {  	[sflag:s14] =	ssyncadd.s32 @!p0 $0xFFFFEC00  }
0x4e: {  	_ =	swait.ge @!p0 [sflag:s12], $0x28  }
0x4f: {  	[sflag:s12] =	ssyncset.done @!p0 $0x0  }
0x50: {  	s13 =	simm.s32 $0xA0;
	[sflag:s12] =	ssyncadd.s32 @!p0 $0xFFFFFFD8  }
0x51: {  	[tilespmem:s31], [sflag:$0x5] =	stream.indirect.gather [hbm4b:s1+s22], $0x80, s13, s22, $0xb8;
	[tilespmem:$0x1F600] =	vst v63  }
0x52: {  	_ =	swait.ge [sflag:s2], $0x1400  }
0x53: {  	[sflag:s2] =	ssyncset.done $0x0  }
0x54: {  	s14 =	simm.s32 $0x27A8;
	[sflag:s2] =	ssyncadd.s32 $0xFFFFEC00  }
0x55: {  	[spmem:s3] =	stream.indirect.scatter.add.f32 [tilespmem:s24], [sflag:$0x7], $0x80, s14, s22, $0xb8;
	[tilespmem:$0x1F600] =	vst v63  }
0x56: {  	_ = 	snop  }
0x57: {  	[spmem:s4] =	stream.indirect.scatter.add.f32 [tilespmem:s18], [sflag:$0xB], $0x1, s14, s22, $0xb8;
	[tilespmem:$0x1F600] =	vst v63  }
0x58: {  	_ =	swait.ge [sflag:s28], $0x1400  }
0x59: {  	[sflag:s28] =	ssyncset.done $0x0  }
0x5a: {  	[sflag:s28] =	ssyncadd.s32 $0xFFFFEC00  }
0x5b: {  	p0 =	por $0x0, $0x0;
	_ =	swait.ge [sflag:s0], $0x28  }
0x5c: {  	s12 =	simm.s32 @!p0 $0x4F00;
	[sflag:s0] =	ssyncset.done $0x0  }
0x5d: {  	s13 =	simm.s32 @!p0 $0xC8;
	s14 =	simm.s32 @!p0 $0x28;
	[sflag:s0] =	ssyncadd.s32 $0xFFFFFFD8  }
0x5e: {  	[tilespmem:s12], [sflag:$0x1] =	stream.indirect.gather @!p0 [hbm4b:s1+s14], $0x80, s13, s14, $0xb8;
	[tilespmem:$0x1F600] =	vst v63  }
0x5f: {  	_ =	swait.ge [sflag:s16], $0x1400  }
0x60: {  	[sflag:s16] =	ssyncset.done $0x0  }
0x61: {  	s15 =	simm.s32 $0x27D0;
	[sflag:s16] =	ssyncadd.s32 $0xFFFFEC00  }
0x62: {  	[spmem:s3] =	stream.indirect.scatter.add.f32 [tilespmem:s26], [sflag:$0x8], $0x80, s15, s22, $0xb8;
	[tilespmem:$0x1F600] =	vst v63  }
0x63: {  	_ = 	snop  }
0x64: {  	[spmem:s4] =	stream.indirect.scatter.add.f32 [tilespmem:s18], [sflag:$0xB], $0x1, s15, s22, $0xb8;
	[tilespmem:$0x1F600] =	vst v63  }
0x65: {  	_ =	swait.ge [sflag:s29], $0x1400  }
0x66: {  	[sflag:s29] =	ssyncset.done $0x0  }
0x67: {  	[sflag:s29] =	ssyncadd.s32 $0xFFFFEC00  }
0x68: {  	_ =	swait.ge [sflag:s0], $0x28  }
0x69: {  	[sflag:s0] =	ssyncset.done $0x0  }
0x6a: {  	s12 =	simm.s32 @!p0 $0xF0;
	s13 =	simm.s32 @!p0 $0x6300;
	[sflag:s0] =	ssyncadd.s32 $0xFFFFFFD8  }
0x6b: {  	[tilespmem:s13], [sflag:$0x2] =	stream.indirect.gather @!p0 [hbm4b:s1+s14], $0x80, s12, s14, $0xb8;
	[tilespmem:$0x1F600] =	vst v63  }
0x6c: {  	_ =	swait.ge [sflag:s25], $0x1400  }
0x6d: {  	[sflag:s25] =	ssyncset.done $0x0  }
0x6e: {  	s19 =	simm.s32 $0x27F8;
	[sflag:s25] =	ssyncadd.s32 $0xFFFFEC00  }
0x6f: {  	[spmem:s3] =	stream.indirect.scatter.add.f32 [tilespmem:s30], [sflag:$0x9], $0x80, s19, s22, $0xb8;
	[tilespmem:$0x1F600] =	vst v63  }
0x70: {  	_ = 	snop  }
0x71: {  	[spmem:s4] =	stream.indirect.scatter.add.f32 [tilespmem:s18], [sflag:$0xB], $0x1, s19, s22, $0xb8;
	[tilespmem:$0x1F600] =	vst v63  }
0x72: {  	_ =	swait.ge [sflag:s6], $0x1400  }
0x73: {  	[sflag:s6] =	ssyncset.done $0x0  }
0x74: {  	[sflag:s6] =	ssyncadd.s32 $0xFFFFEC00  }
0x75: {  	_ =	swait.ge [sflag:s0], $0x28  }
0x76: {  	[sflag:s0] =	ssyncset.done $0x0  }
0x77: {  	s12 =	simm.s32 @!p0 $0x118;
	s13 =	simm.s32 @!p0 $0x7700;
	[sflag:s0] =	ssyncadd.s32 $0xFFFFFFD8  }
0x78: {  	[tilespmem:s13], [sflag:$0x3] =	stream.indirect.gather @!p0 [hbm4b:s1+s14], $0x80, s12, s14, $0xb8;
	[tilespmem:$0x1F600] =	vst v63  }
0x79: {  	p6 =	por $0x0, $0x0;
	_ =	swait.ge [sflag:s7], $0x1400  }
0x7a: {  	s14 =	simm.s32 $0x2820;
	s12 =	simm.s32 $0x320;
	[sflag:s7] =	ssyncset.done $0x0  }
0x7b: {  	s13 =	simm.s32 $0x640;
	p0 =	por p6, p6;
	[sflag:s7] =	ssyncadd.s32 $0xFFFFEC00  }
0x7c: {  	[spmem:s3] =	stream.indirect.scatter.add.f32 [tilespmem:s31], [sflag:$0xA], $0x80, s14, s22, $0xb8;
	[tilespmem:$0x1F600] =	vst v63  }
.LBB2_2:
0x7d: {  	[spmem:s4] =	stream.indirect.scatter.add.f32 [tilespmem:s18], [sflag:$0xB], $0x1, s14, s22, $0xb8;
	[tilespmem:$0x1F600] =	vst v63  }
0x7e: {  	s15 =	smov.u32 s13  }
0x7f: {  	s13 =	sadd.s32 $0x320, s13;
	s14 =	simm.s32 @!p0 $0x9;
	p2 =	seq.s32 s15, $0x0  }
0x80: {  	p1 =	sne.s32 s13, $0x9C40;
	_ =	swait.ge @!p0 [sflag:s14], $0x1400  }
0x81: {  	[sflag:s14] =	ssyncset.done @!p0 $0x0  }
0x82: {  	s19 =	simm.s32 @!p0 $0xB;
	[sflag:s14] =	ssyncadd.s32 @!p0 $0xFFFFEC00  }
0x83: {  	_ =	swait.ge @!p0 [sflag:s19], $0x28  }
0x84: {  	s14 =	sshra.s32 s12, $0x2;
	[sflag:s19] =	ssyncset.done @!p0 $0x0  }
0x85: {  	s9 =	sadd.s32 $0x78, s14;
	[sflag:s19] =	ssyncadd.s32 @!p0 $0xFFFFFFD8  }
0x86: {  	[tilespmem:s30], [sflag:$0x4] =	stream.indirect.gather [hbm4b:s1+s22], $0x80, s9, s22, $0xb8;
	[tilespmem:$0x1F600] =	vst v63  }
0x87: {  	_ =	swait.ge [sflag:s21], $0x1400  }
0x88: {  	[sflag:s21] =	ssyncset.done $0x0  }
0x89: {  	s9 =	sadd.s32 $0x2780, s14;
	[sflag:s21] =	ssyncadd.s32 $0xFFFFEC00  }
0x8a: {  	[spmem:s3] =	stream.indirect.scatter.add.f32 [tilespmem:s23], [sflag:$0x6], $0x80, s9, s22, $0xb8;
	[tilespmem:$0x1F600] =	vst v63  }
0x8b: {  	s10 =	simm.s32 @!p0 $0xA  }
0x8c: {  	[spmem:s4] =	stream.indirect.scatter.add.f32 [tilespmem:s18], [sflag:$0xB], $0x1, s9, s22, $0xb8;
	[tilespmem:$0x1F600] =	vst v63  }
0x8d: {  	_ =	swait.ge @!p0 [sflag:s10], $0x1400  }
0x8e: {  	[sflag:s10] =	ssyncset.done @!p0 $0x0  }
0x8f: {  	[sflag:s10] =	ssyncadd.s32 @!p0 $0xFFFFEC00  }
0x90: {  	_ =	swait.ge @!p0 [sflag:s19], $0x28  }
0x91: {  	[sflag:s19] =	ssyncset.done @!p0 $0x0  }
0x92: {  	s9 =	sadd.s32 $0xA0, s14;
	[sflag:s19] =	ssyncadd.s32 @!p0 $0xFFFFFFD8;
	p0 =	por p2, p2  }
0x93: {  	[tilespmem:s31], [sflag:$0x5] =	stream.indirect.gather [hbm4b:s1+s22], $0x80, s9, s22, $0xb8;
	[tilespmem:$0x1F600] =	vst v63  }
0x94: {  	_ =	swait.ge [sflag:s2], $0x1400  }
0x95: {  	[sflag:s2] =	ssyncset.done $0x0  }
0x96: {  	s9 =	sadd.s32 $0x27A8, s14;
	[sflag:s2] =	ssyncadd.s32 $0xFFFFEC00  }
0x97: {  	[spmem:s3] =	stream.indirect.scatter.add.f32 [tilespmem:s24], [sflag:$0x7], $0x80, s9, s22, $0xb8;
	[tilespmem:$0x1F600] =	vst v63  }
0x98: {  	_ = 	snop  }
0x99: {  	[spmem:s4] =	stream.indirect.scatter.add.f32 [tilespmem:s18], [sflag:$0xB], $0x1, s9, s22, $0xb8;
	[tilespmem:$0x1F600] =	vst v63  }
0x9a: {  	_ =	swait.ge [sflag:s28], $0x1400  }
0x9b: {  	[sflag:s28] =	ssyncset.done $0x0  }
0x9c: {  	[sflag:s28] =	ssyncadd.s32 $0xFFFFEC00  }
0x9d: {  	p2 =	seq.s32 s12, $0x9920;
	_ =	swait.ge [sflag:s0], $0x28  }
0x9e: {  	s10 =	simm.s32 @!p2 $0x4F00;
	s9 =	sshra.s32 @!p2 s12, $0x2;
	[sflag:s0] =	ssyncset.done $0x0  }
0x9f: {  	s19 =	simm.s32 @!p2 $0x28;
	s12 =	sadd.s32 @!p2 $0xC8, s9;
	[sflag:s0] =	ssyncadd.s32 $0xFFFFFFD8  }
0xa0: {  	[tilespmem:s10], [sflag:$0x1] =	stream.indirect.gather @!p2 [hbm4b:s1+s19], $0x80, s12, s19, $0xb8;
	[tilespmem:$0x1F600] =	vst v63  }
0xa1: {  	s10 =	sadd.s32 @!p2 $0xF0, s9;
	s9 =	sadd.s32 @!p2 $0x118, s9;
	_ =	swait.ge [sflag:s16], $0x1400  }
0xa2: {  	s12 =	smov.u32 s15;
	[sflag:s16] =	ssyncset.done $0x0  }
0xa3: {  	s15 =	sadd.s32 $0x27D0, s14;
	[sflag:s16] =	ssyncadd.s32 $0xFFFFEC00  }
0xa4: {  	[spmem:s3] =	stream.indirect.scatter.add.f32 [tilespmem:s26], [sflag:$0x8], $0x80, s15, s22, $0xb8;
	[tilespmem:$0x1F600] =	vst v63  }
0xa5: {  	_ = 	snop  }
0xa6: {  	[spmem:s4] =	stream.indirect.scatter.add.f32 [tilespmem:s18], [sflag:$0xB], $0x1, s15, s22, $0xb8;
	[tilespmem:$0x1F600] =	vst v63  }
0xa7: {  	_ =	swait.ge [sflag:s29], $0x1400  }
0xa8: {  	[sflag:s29] =	ssyncset.done $0x0  }
0xa9: {  	[sflag:s29] =	ssyncadd.s32 $0xFFFFEC00  }
0xaa: {  	_ =	swait.ge [sflag:s0], $0x28  }
0xab: {  	[sflag:s0] =	ssyncset.done $0x0  }
0xac: {  	s15 =	simm.s32 @!p2 $0x6300;
	[sflag:s0] =	ssyncadd.s32 $0xFFFFFFD8  }
0xad: {  	[tilespmem:s15], [sflag:$0x2] =	stream.indirect.gather @!p2 [hbm4b:s1+s19], $0x80, s10, s19, $0xb8;
	[tilespmem:$0x1F600] =	vst v63  }
0xae: {  	_ =	swait.ge [sflag:s25], $0x1400  }
0xaf: {  	[sflag:s25] =	ssyncset.done $0x0  }
0xb0: {  	s10 =	sadd.s32 $0x27F8, s14;
	[sflag:s25] =	ssyncadd.s32 $0xFFFFEC00  }
0xb1: {  	[spmem:s3] =	stream.indirect.scatter.add.f32 [tilespmem:s30], [sflag:$0x9], $0x80, s10, s22, $0xb8;
	[tilespmem:$0x1F600] =	vst v63  }
0xb2: {  	_ = 	snop  }
0xb3: {  	[spmem:s4] =	stream.indirect.scatter.add.f32 [tilespmem:s18], [sflag:$0xB], $0x1, s10, s22, $0xb8;
	[tilespmem:$0x1F600] =	vst v63  }
0xb4: {  	_ =	swait.ge [sflag:s6], $0x1400  }
0xb5: {  	[sflag:s6] =	ssyncset.done $0x0  }
0xb6: {  	[sflag:s6] =	ssyncadd.s32 $0xFFFFEC00  }
0xb7: {  	_ =	swait.ge [sflag:s0], $0x28  }
0xb8: {  	[sflag:s0] =	ssyncset.done $0x0  }
0xb9: {  	s10 =	simm.s32 @!p2 $0x7700;
	[sflag:s0] =	ssyncadd.s32 $0xFFFFFFD8  }
0xba: {  	[tilespmem:s10], [sflag:$0x3] =	stream.indirect.gather @!p2 [hbm4b:s1+s19], $0x80, s9, s19, $0xb8;
	[tilespmem:$0x1F600] =	vst v63  }
.Ltmp0:
0xbb: {  	_ = 	snop;
	(pc) =	sbr.rel @p1 .LBB2_2-.Ltmp0, $4  }
0xbc: {  	_ =	swait.ge [sflag:s7], $0x1400  }
0xbd: {  	[sflag:s7] =	ssyncset.done $0x0  }
0xbe: {  	s14 =	sadd.s32 $0x2820, s14;
	[sflag:s7] =	ssyncadd.s32 $0xFFFFEC00  }
0xbf: {  	[spmem:s3] =	stream.indirect.scatter.add.f32 [tilespmem:s31], [sflag:$0xA], $0x80, s14, s22, $0xb8;
	[tilespmem:$0x1F600] =	vst v63  }
0xc0: {  	[spmem:s4] =	stream.indirect.scatter.add.f32 [tilespmem:s18], [sflag:$0xB], $0x1, s14, s22, $0xb8;
	[tilespmem:$0x1F600] =	vst v63  }
0xc1: {  	s9 =	simm.s32 @!p0 $0x9  }
0xc2: {  	_ =	swait.ge @!p0 [sflag:s9], $0x1400  }
0xc3: {  	[sflag:s9] =	ssyncset.done @!p0 $0x0  }
0xc4: {  	[sflag:s9] =	ssyncadd.s32 @!p0 $0xFFFFEC00;
	s9 =	simm.s32 @!p0 $0xB  }
0xc5: {  	_ =	swait.ge @!p0 [sflag:s9], $0x28  }
0xc6: {  	s13 =	sshra.s32 s12, $0x2;
	[sflag:s9] =	ssyncset.done @!p0 $0x0  }
0xc7: {  	s10 =	sadd.s32 $0x78, s13;
	[sflag:s9] =	ssyncadd.s32 @!p0 $0xFFFFFFD8  }
0xc8: {  	[tilespmem:s30], [sflag:$0x4] =	stream.indirect.gather [hbm4b:s1+s22], $0x80, s10, s22, $0xb8;
	[tilespmem:$0x1F600] =	vst v63  }
0xc9: {  	_ =	swait.ge [sflag:s21], $0x1400  }
0xca: {  	[sflag:s21] =	ssyncset.done $0x0  }
0xcb: {  	s19 =	sadd.s32 $0x2780, s13;
	[sflag:s21] =	ssyncadd.s32 $0xFFFFEC00  }
0xcc: {  	[spmem:s3] =	stream.indirect.scatter.add.f32 [tilespmem:s23], [sflag:$0x6], $0x80, s19, s22, $0xb8;
	[tilespmem:$0x1F600] =	vst v63  }
0xcd: {  	s14 =	simm.s32 @!p0 $0xA  }
0xce: {  	[spmem:s4] =	stream.indirect.scatter.add.f32 [tilespmem:s18], [sflag:$0xB], $0x1, s19, s22, $0xb8;
	[tilespmem:$0x1F600] =	vst v63  }
0xcf: {  	_ =	swait.ge @!p0 [sflag:s14], $0x1400  }
0xd0: {  	[sflag:s14] =	ssyncset.done @!p0 $0x0  }
0xd1: {  	[sflag:s14] =	ssyncadd.s32 @!p0 $0xFFFFEC00  }
0xd2: {  	_ =	swait.ge @!p0 [sflag:s9], $0x28  }
0xd3: {  	[sflag:s9] =	ssyncset.done @!p0 $0x0  }
0xd4: {  	s14 =	sadd.s32 $0xA0, s13;
	[sflag:s9] =	ssyncadd.s32 @!p0 $0xFFFFFFD8  }
0xd5: {  	[tilespmem:s31], [sflag:$0x5] =	stream.indirect.gather [hbm4b:s1+s22], $0x80, s14, s22, $0xb8;
	[tilespmem:$0x1F600] =	vst v63  }
0xd6: {  	_ =	swait.ge [sflag:s2], $0x1400  }
0xd7: {  	[sflag:s2] =	ssyncset.done $0x0  }
0xd8: {  	s15 =	sadd.s32 $0x27A8, s13;
	[sflag:s2] =	ssyncadd.s32 $0xFFFFEC00  }
0xd9: {  	[spmem:s3] =	stream.indirect.scatter.add.f32 [tilespmem:s24], [sflag:$0x7], $0x80, s15, s22, $0xb8;
	[tilespmem:$0x1F600] =	vst v63  }
0xda: {  	_ = 	snop  }
0xdb: {  	[spmem:s4] =	stream.indirect.scatter.add.f32 [tilespmem:s18], [sflag:$0xB], $0x1, s15, s22, $0xb8;
	[tilespmem:$0x1F600] =	vst v63  }
0xdc: {  	_ =	swait.ge [sflag:s28], $0x1400  }
0xdd: {  	[sflag:s28] =	ssyncset.done $0x0  }
0xde: {  	[sflag:s28] =	ssyncadd.s32 $0xFFFFEC00  }
0xdf: {  	p0 =	seq.s32 s12, $0x9920;
	_ =	swait.ge [sflag:s0], $0x28  }
0xe0: {  	s9 =	sshra.s32 @!p0 s12, $0x2;
	s10 =	simm.s32 @!p0 $0x4F00;
	[sflag:s0] =	ssyncset.done $0x0  }
0xe1: {  	s14 =	simm.s32 @!p0 $0x28;
	s12 =	sadd.s32 @!p0 $0xC8, s9;
	[sflag:s0] =	ssyncadd.s32 $0xFFFFFFD8  }
0xe2: {  	[tilespmem:s10], [sflag:$0x1] =	stream.indirect.gather @!p0 [hbm4b:s1+s14], $0x80, s12, s14, $0xb8;
	[tilespmem:$0x1F600] =	vst v63  }
0xe3: {  	_ =	swait.ge [sflag:s16], $0x1400  }
0xe4: {  	[sflag:s16] =	ssyncset.done $0x0  }
0xe5: {  	s19 =	sadd.s32 $0x27D0, s13;
	[sflag:s16] =	ssyncadd.s32 $0xFFFFEC00  }
0xe6: {  	[spmem:s3] =	stream.indirect.scatter.add.f32 [tilespmem:s26], [sflag:$0x8], $0x80, s19, s22, $0xb8;
	[tilespmem:$0x1F600] =	vst v63  }
0xe7: {  	_ = 	snop  }
0xe8: {  	[spmem:s4] =	stream.indirect.scatter.add.f32 [tilespmem:s18], [sflag:$0xB], $0x1, s19, s22, $0xb8;
	[tilespmem:$0x1F600] =	vst v63  }
0xe9: {  	_ =	swait.ge [sflag:s29], $0x1400  }
0xea: {  	[sflag:s29] =	ssyncset.done $0x0  }
0xeb: {  	[sflag:s29] =	ssyncadd.s32 $0xFFFFEC00  }
0xec: {  	_ =	swait.ge [sflag:s0], $0x28  }
0xed: {  	[sflag:s0] =	ssyncset.done $0x0  }
0xee: {  	s10 =	sadd.s32 @!p0 $0xF0, s9;
	s12 =	simm.s32 @!p0 $0x6300;
	[sflag:s0] =	ssyncadd.s32 $0xFFFFFFD8  }
0xef: {  	[tilespmem:s12], [sflag:$0x2] =	stream.indirect.gather @!p0 [hbm4b:s1+s14], $0x80, s10, s14, $0xb8;
	[tilespmem:$0x1F600] =	vst v63  }
0xf0: {  	_ =	swait.ge [sflag:s25], $0x1400  }
0xf1: {  	[sflag:s25] =	ssyncset.done $0x0  }
0xf2: {  	s12 =	sadd.s32 $0x27F8, s13;
	[sflag:s25] =	ssyncadd.s32 $0xFFFFEC00  }
0xf3: {  	[spmem:s3] =	stream.indirect.scatter.add.f32 [tilespmem:s30], [sflag:$0x9], $0x80, s12, s22, $0xb8;
	[tilespmem:$0x1F600] =	vst v63  }
0xf4: {  	_ = 	snop  }
0xf5: {  	[spmem:s4] =	stream.indirect.scatter.add.f32 [tilespmem:s18], [sflag:$0xB], $0x1, s12, s22, $0xb8;
	[tilespmem:$0x1F600] =	vst v63  }
0xf6: {  	_ =	swait.ge [sflag:s6], $0x1400  }
0xf7: {  	[sflag:s6] =	ssyncset.done $0x0  }
0xf8: {  	[sflag:s6] =	ssyncadd.s32 $0xFFFFEC00  }
0xf9: {  	_ =	swait.ge [sflag:s0], $0x28  }
0xfa: {  	[sflag:s0] =	ssyncset.done $0x0  }
0xfb: {  	s9 =	sadd.s32 @!p0 $0x118, s9;
	s10 =	simm.s32 @!p0 $0x7700;
	[sflag:s0] =	ssyncadd.s32 $0xFFFFFFD8  }
0xfc: {  	[tilespmem:s10], [sflag:$0x3] =	stream.indirect.gather @!p0 [hbm4b:s1+s14], $0x80, s9, s14, $0xb8;
	[tilespmem:$0x1F600] =	vst v63  }
0xfd: {  	_ =	swait.ge [sflag:s7], $0x1400  }
0xfe: {  	[sflag:s7] =	ssyncset.done $0x0  }
0xff: {  	s14 =	sadd.s32 $0x2820, s13;
	[sflag:s7] =	ssyncadd.s32 $0xFFFFEC00  }
0x100: {  	[spmem:s3] =	stream.indirect.scatter.add.f32 [tilespmem:s31], [sflag:$0xA], $0x80, s14, s22, $0xb8;
	[tilespmem:$0x1F600] =	vst v63  }
0x101: {  	s15 =	simm.s32 $0x9  }
0x102: {  	[spmem:s4] =	stream.indirect.scatter.add.f32 [tilespmem:s18], [sflag:$0xB], $0x1, s14, s22, $0xb8;
	[tilespmem:$0x1F600] =	vst v63  }
0x103: {  	_ =	swait.ge [sflag:s15], $0x1400  }
0x104: {  	[sflag:s15] =	ssyncset.done $0x0  }
0x105: {  	[sflag:s15] =	ssyncadd.s32 $0xFFFFEC00  }
0x106: {  	_ =	swait.ge [sflag:s0], $0x28  }
0x107: {  	[sflag:s0] =	ssyncset.done $0x0  }
0x108: {  	s19 =	simm.s32 $0xA;
	[sflag:s0] =	ssyncadd.s32 $0xFFFFFFD8  }
0x109: {  	_ =	swait.ge [sflag:s19], $0x1400  }
0x10a: {  	[sflag:s19] =	ssyncset.done $0x0  }
0x10b: {  	[sflag:s19] =	ssyncadd.s32 $0xFFFFEC00  }
0x10c: {  	_ =	swait.ge [sflag:s0], $0x28  }
0x10d: {  	[sflag:s0] =	ssyncset.done $0x0  }
0x10e: {  	[sflag:s0] =	ssyncadd.s32 $0xFFFFFFD8  }
0x10f: {  	[bflag:$0x0] =	sbarrier.arrive $0xFFFF  }
0x110: {  	s10 =	sor.u32 $0x1C01, s8;
	s13 =	sor.u32 $0x1C02, s8;
	s12 =	rddreg [dreg:$0xc]  }
0x111: {  	[hbm:s12], [sflag:s10] =	dma.local [spmem:s17], $0x2800  }
0x112: {  	s14 =	simm.s32 $0x20;
	s15 =	simm.s32 $0x10;
	s10 =	rddreg [dreg:$0xd]  }
0x113: {  	[hbm:s10@s14], [sflag:s13] =	dma.strided [spmem:s20@s15], $0x50, s21, $0x10   }
0x114: {  	_ =	swait.ge [sflag:s21], $0x2800  }
0x115: {  	[sflag:s21] =	ssyncset.done $0x0  }
0x116: {  	[sflag:s21] =	ssyncadd.s32 $0xFFFFD800  }
0x117: {  	_ =	swait.ge [sflag:s2], $0x50  }
0x118: {  	s11 =	sadd.s32 $0x1, s11;
	s19 =	rddreg [dreg:$0xe]  }
0x119: {  	p0 =	sne.s32 s11, s19  }
.Ltmp1:
0x11a: {  	_ = 	snop;
	(pc) =	sbr.rel @p0 .LBB2_1-.Ltmp1, $3  }
0x11b: {  	_ =	sdelay $0x1  }
0x11c: {  	[sflag:s2] =	ssyncset.done $0x0  }
0x11d: {  	[sflag:s2] =	ssyncadd.s32 $0xFFFFFFB0  }
0x11e: {  	_ =	sfence.sel $0x180000  }
0x11f: {  	[bflag:$0x0] =	sbarrier.arrive $0xFFFF  }
0x120: {  	_ =	strace $0x90000047  }
0x121: {  	s0 =	stileid.u32;
	[bflag:$0x2] =	sbarrier.arrive $0xFFFF  }
0x122: {  	p0 =	sne.s32 s0, $0x0;
	s0 =	rddreg [dreg:$0x5]  }
0x123: {  	s0 =	sadd.s32 @!p0 $0x100000, s0  }
0x124: {  	[sflag:s0] =	ssyncadd.tile.s32 @!p0 $0x1;
	_ =	shalt  }
.Lfunc_end2:
_tile_overlayer_lowered:
.L_overlay_start_2:
0x125: {  	(tag) =	ssettag $0x2  }
0x126: {  	s0 =	rddreg [dreg:$0x0];
	s2 =	stileid.u32  }
0x127: {  	s1 =	rddreg [dreg:$0x1];
	p0 =	sne.s32 s2, $0x0  }
0x128: {  	s3 =	rddreg [dreg:$0x2];
	[bflag:$0x3] =	sbarrier.arrive $0xFFFF;
	s2 =	simm.s32 @!p0 $0x1C0C  }
0x129: {  	[timem:s3], [sflag:s2] =	dma.local @!p0 [hbm:s0], s1  }
0x12a: {  	s0 =	simm.s32 @!p0 $0xC  }
0x12b: {  	_ =	swait.ge @!p0 [sflag:s0], s1  }
0x12c: {  	s1 =	ssub.s32 @!p0 $0x0, s1;
	[sflag:s0] =	ssyncset.done @!p0 $0x0  }
0x12d: {  	[sflag:s0] =	ssyncadd.s32 @!p0 s1  }
0x12e: {  	[bflag:$0x3] =	sbarrier.arrive $0xFFFF  }
0x12f: {  	_ =	shalt  }

// kernel: kernel.9.cloned.1.call-start
scs
__scs_entry_jumppad:
0x0: {  	(pc) =	sbr.rel $0x88, $3  }
0x1: {  	(tag) =	ssettag $0x0;
	lr =	simm.s32 $0x1  }
0x2: {  	[smem:$0x3F99] =	sst lr;
	_ =	strace $0xD0000000  }
0x3: {  	_ = 	snop  }
0x4: {  	_ = 	snop  }
0x5: {  	_ = 	snop  }
0x6: {  	_ = 	snop  }
0x7: {  	_ = 	snop  }
__scs_overlays_trampoline_lowered:
0x8: {  	[smem:$0x3FA8] =	sst s0  }
0x9: {  	[smem:$0x3FA9] =	sst s1  }
0xa: {  	[smem:$0x3FAA] =	sst s2  }
0xb: {  	[smem:$0x3FAB] =	sst s3  }
0xc: {  	[smem:$0x3FAC] =	sst s4  }
0xd: {  	[smem:$0x3FAD] =	sst s5  }
0xe: {  	[smem:$0x3FAE] =	sst s6  }
0xf: {  	[smem:$0x3FAF] =	sst s7  }
0x10: {  	[smem:$0x3FB0] =	sst s8  }
0x11: {  	[smem:$0x3FB1] =	sst s9;
	s0 =	simm.s32 @!p0 $0x0  }
0x12: {  	s1 =	sld [smem:$0x3F97];
	s0 =	simm.s32 @p0 $0x1  }
0x13: {  	[smem:$0x3FB2] =	sst s0;
	s0 =	simm.s32 @!p1 $0x0  }
0x14: {  	s2 =	sld [smem:$0x3F96];
	s0 =	simm.s32 @p1 $0x1  }
0x15: {  	[smem:$0x3FB3] =	sst s0;
	s0 =	simm.s32 @!p2 $0x0  }
0x16: {  	s3 =	sld [smem:$0x3FDB];
	s0 =	simm.s32 @p2 $0x1  }
0x17: {  	s4 =	simm.s32 $0x1BF5;
	[smem:$0x3FB5] =	sst s0  }
0x18: {  	s0 =	sld [smem:$0x3F98];
	_ =	swait.ge [sflag:s4], $0x0  }
0x19: {  	s7 =	sld [smem:$0x3F99]  }
0x1a: {  	s8 =	sadd.s32 $0xFFFFE003, lr  }
0x1b: {  	s9 =	sadd.s32 $0xFFFFFEF7, lr;
	s5 =	simm.s32 $0xFFFFFFFF;
	p2 =	slt.u32 s8, $0xFFFFF086  }
0x1c: {  	p1 =	slt.u32 s9, $0xF7A;
	s5 =	simm.s32 @!p2 $0x0  }
0x1d: {  	s5 =	simm.s32 @p1 $0x1;
	p0 =	seq.s32 s7, s2  }
0x1e: {  	s7 =	smul.u32 @!p0 $0xF7A, s2;
	p2 =	seq.s32 @!p0 s5, $0x0  }
0x1f: {  	s9 =	smul.u32 $0xF7A, s1;
	s8 =	simm.s32 @!p0 $0x1BF5;
	p2 =	por !p2, p0  }
0x20: {  	[sflag:s8] =	ssyncset.s32 @!p0 $0xFFFFF086;
	s6 =	sadd.s32 @!p0 s3, s7;
	s7 =	simm.s32 @!p0 $0x108  }
0x21: {  	s3 =	sadd.s32 s3, s9;
	s6 =	sadd.s32 @!p0 $0x88, s6;
	s7 =	simm.s32 @p2 $0x1082  }
0x22: {  	[simem:s7], [sflag:s8] =	dma.local @!p0 [hbm:s6], $0xF7A  }
0x23: {  	s9 =	sor.u32 $0xD0000000, s2;
	s6 =	simm.s32 $0x108;
	_ =	swait.ge @!p0 [sflag:s8], $0x0  }
0x24: {  	s3 =	sadd.s32 $0x88, s3;
	s6 =	simm.s32 @!p1 $0x1082;
	[sflag:s4] =	ssyncset.s32 $0xFFFFF086  }
0x25: {  	[simem:s6], [sflag:s4] =	dma.local [hbm:s3], $0xF7A  }
0x26: {  	[smem:$0x3F99] =	sst s1;
	(tag) =	ssettag s2;
	_ =	strace s9  }
0x27: {  	s1 =	sld [smem:$0x3FA9]  }
0x28: {  	s2 =	sld [smem:$0x3FAA]  }
0x29: {  	s4 =	sld [smem:$0x3FAC]  }
0x2a: {  	p0 =	seq.s32 s5, $0x0;
	s5 =	sld [smem:$0x3FAD]  }
0x2b: {  	s6 =	sld [smem:$0x3FAE]  }
0x2c: {  	s7 =	sld [smem:$0x3FAF]  }
0x2d: {  	s3 =	simm.s32 $0x108;
	s8 =	sld [smem:$0x3FB0]  }
0x2e: {  	s3 =	simm.s32 @!p0 $0x1082;
	s9 =	sld [smem:$0x3FB1]  }
0x2f: {  	lr =	sadd.s32 s0, s3;
	s0 =	sld [smem:$0x3FA8]  }
0x30: {  	s3 =	sld [smem:$0x3FAB]  }
0x31: {  	[smem:$0x3FB4] =	sst s10  }
0x32: {  	s10 =	sld [smem:$0x3FB2];
	_ =	sdelay $0x3  }
0x33: {  	p0 =	seq.s32 s10, $0x1;
	s10 =	sld [smem:$0x3FB4];
	_ =	sdelay $0x3  }
0x34: {  	[smem:$0x3FB4] =	sst s10  }
0x35: {  	s10 =	sld [smem:$0x3FB3];
	_ =	sdelay $0x3  }
0x36: {  	p1 =	seq.s32 s10, $0x1;
	s10 =	sld [smem:$0x3FB4];
	_ =	sdelay $0x3  }
0x37: {  	[smem:$0x3FB4] =	sst s10  }
0x38: {  	s10 =	sld [smem:$0x3FB5]  }
0x39: {  	_ = 	snop;
	(pc) =	sbr.ind lr, $3  }
0x3a: {  	_ = 	snop  }
0x3b: {  	_ = 	snop  }
0x3c: {  	p2 =	seq.s32 s10, $0x1;
	s10 =	sld [smem:$0x3FB4]  }
0x3d: {  	_ =	shalt  }
0x3e: {  	_ =	shalt  }
0x3f: {  	_ =	shalt  }
0x40: {  	_ =	shalt  }
0x41: {  	_ =	shalt  }
0x42: {  	_ =	shalt  }
0x43: {  	_ =	shalt  }
0x44: {  	_ =	shalt  }
0x45: {  	_ =	shalt  }
0x46: {  	_ =	shalt  }
0x47: {  	_ =	shalt  }
0x48: {  	_ =	shalt  }
0x49: {  	_ =	shalt  }
0x4a: {  	_ =	shalt  }
0x4b: {  	_ =	shalt  }
0x4c: {  	_ =	shalt  }
0x4d: {  	_ =	shalt  }
0x4e: {  	_ =	shalt  }
0x4f: {  	_ =	shalt  }
0x50: {  	_ =	shalt  }
0x51: {  	_ =	shalt  }
0x52: {  	_ =	shalt  }
0x53: {  	_ =	shalt  }
0x54: {  	_ =	shalt  }
0x55: {  	_ =	shalt  }
0x56: {  	_ =	shalt  }
0x57: {  	_ =	shalt  }
0x58: {  	_ =	shalt  }
0x59: {  	_ =	shalt  }
0x5a: {  	_ =	shalt  }
0x5b: {  	_ =	shalt  }
0x5c: {  	_ =	shalt  }
0x5d: {  	_ =	shalt  }
0x5e: {  	_ =	shalt  }
0x5f: {  	_ =	shalt  }
0x60: {  	_ =	shalt  }
0x61: {  	_ =	shalt  }
0x62: {  	_ =	shalt  }
0x63: {  	_ =	shalt  }
0x64: {  	_ =	shalt  }
0x65: {  	_ =	shalt  }
0x66: {  	_ =	shalt  }
0x67: {  	_ =	shalt  }
0x68: {  	_ =	shalt  }
0x69: {  	_ =	shalt  }
0x6a: {  	_ =	shalt  }
0x6b: {  	_ =	shalt  }
0x6c: {  	_ =	shalt  }
0x6d: {  	_ =	shalt  }
0x6e: {  	_ =	shalt  }
0x6f: {  	_ =	shalt  }
0x70: {  	_ =	shalt  }
0x71: {  	_ =	shalt  }
0x72: {  	_ =	shalt  }
0x73: {  	_ =	shalt  }
0x74: {  	_ =	shalt  }
0x75: {  	_ =	shalt  }
0x76: {  	_ =	shalt  }
0x77: {  	_ =	shalt  }
0x78: {  	_ =	shalt  }
0x79: {  	_ =	shalt  }
0x7a: {  	_ =	shalt  }
0x7b: {  	_ =	shalt  }
0x7c: {  	_ =	shalt  }
0x7d: {  	_ =	shalt  }
0x7e: {  	_ =	shalt  }
0x7f: {  	_ =	shalt  }
0x80: {  	_ =	shalt  }
0x81: {  	_ =	shalt  }
0x82: {  	_ =	shalt  }
0x83: {  	_ =	shalt  }
0x84: {  	_ =	shalt  }
0x85: {  	_ =	shalt  }
0x86: {  	_ =	shalt  }
0x87: {  	_ =	shalt  }
.Lfunc_end0:
.L_simem_size_0:
called_computation.1_lowered:
.L_overlay_start_0:
0x88: {  	s2 =	sld [smem:$0x3FD9]  }
0x89: {  	s3 =	sld [smem:$0x3FFE];
	_ =	sdelay $0x1  }
0x8a: {  	s1 =	srdreg.scid  }
0x8b: {  	s0 =	sand.u32 $0x1, s1  }
0x8c: {  	s17 =	sshll.u32 s0, $0xA;
	s2 =	sadd.s32 s3, s2  }
0x8d: {  	s2 =	sadd.s32 s2, s17  }
0x8e: {  	[smem:$0x3FC0] =	sst s2  }
0x8f: {  	_ = 	snop  }
0x90: {  	s2 =	sld [smem:$0x3FD0];
	(tm) =	ssettm $0x1  }
0x91: {  	s18 =	sld [smem:$0x3FFB];
	_ =	sdelay $0x3  }
0x92: {  	_ =	strace s18  }
0x93: {  	s3 =	sld [smem:$0x3FFC];
	_ =	sdelay $0x3  }
0x94: {  	_ =	strace s3  }
0x95: {  	s3 =	sld [smem:$0x3FFD];
	_ =	sdelay $0x3  }
0x96: {  	_ =	strace s3  }
0x97: {  	_ =	strace $0x8FFFFFFF  }
0x98: {  	s19 =	sld [smem:$0x3FDB];
	_ =	sdelay $0x1  }
0x99: {  	s4 =	simm.s32 $_scs_section_size  }
0x9a: {  	s5 =	simm.s32 $_size__tile_overlayer_lowered;
	s6 =	simm.s32 $_tile_overlayer_lowered  }
0x9b: {  	s22 =	simm.s32 $0x1BFF;
	s21 =	sshll.u32 s6, $0x1;
	s3 =	sadd.s32 s4, s19  }
0x9c: {  	s7 =	simm.s32 $0x0;
	s20 =	sshll.u32 s5, $0x1;
	s5 =	sadd.s32 s21, s3  }
0x9d: {  	[timem:s7], [sflag:s22] =	dma.local [hbm:s5], s20  }
0x9e: {  	_ =	swait.ge [sflag:s22], s20  }
0x9f: {  	s4 =	ssub.s32 $0x0, s20;
	[sflag:s22] =	ssyncset.done $0x0  }
0xa0: {  	[sflag:s22] =	ssyncadd.s32 s4;
	_ =	sdelay $0x1  }
0xa1: {  	s23 =	simm.s32 $0x1B8B  }
0xa2: {  	_ =	swait.ge [sflag:s23], $0x1  }
0xa3: {  	[sflag:s23] =	ssyncset.done $0x0  }
0xa4: {  	s25 =	simm.s32 $0x1B8E;
	s24 =	sld [smem:$0x3FFE];
	[sflag:s23] =	ssyncadd.s32 $0xFFFFFFFF  }
0xa5: {  	s26 =	simm.s32 $execute0_lowered;
	[smem:$0x3FD2] =	sst s25  }
0xa6: {  	s5 =	sshll.u32 s26, $0x1;
	_ =	strace $0x80000049;
	[dreg:$0x1] =	wrdreg $0xFFFFFFFF  }
0xa7: {  	s28 =	simm.s32 $_size_execute0_lowered;
	s3 =	sadd.s32 s3, s5;
	[dreg:$0x0] =	wrdreg $0x0  }
0xa8: {  	s5 =	sshll.u32 s28, $0x1;
	[dreg:$0x2] =	wrdreg s3  }
0xa9: {  	[dreg:$0x3] =	wrdreg s5  }
0xaa: {  	[dreg:$0x4] =	wrdreg $0xC0  }
0xab: {  	_ =	task [dreg:s7], $0x5FFFF  }
0xac: {  	[dreg:$0x1] =	wrdreg $0xFFFFFFFF  }
0xad: {  	[dreg:$0x0] =	wrdreg $0x60  }
0xae: {  	[dreg:$0x2] =	wrdreg s2  }
0xaf: {  	[dreg:$0x3] =	wrdreg s24  }
0xb0: {  	[dreg:$0x4] =	wrdreg $0xB3000  }
0xb1: {  	[dreg:$0x5] =	wrdreg $0x9  }
0xb2: {  	_ =	task.clear_ibuf [dreg:s7], $0x6FFFF;
	_ =	strace $0x90000049  }
0xb3: {  	s29 =	simm.s32 $0x9;
	_ =	strace $0x8000004B  }
0xb4: {  	_ =	swait.ge [sflag:s29], $0x1  }
0xb5: {  	[sflag:s29] =	ssyncadd.s32 $0xFFFFFFFF  }
0xb6: {  	_ =	strace $0x9000004B  }
0xb7: {  	_ =	sfence  }
0xb8: {  	s30 =	sld [smem:$0x0];
	_ =	sdelay $0x2  }
0xb9: {  	s31 =	sshll.u32 s1, $0xD;
	s1 =	sshrl.u32 s1, $0x2  }
0xba: {  	s3 =	sand.u32 $0x4000, s31;
	s1 =	sadd.s32 s1, s30  }
0xbb: {  	s0 =	sor.u32 s3, s0;
	s1 =	sshll.u32 s1, $0x11  }
0xbc: {  	s0 =	sor.u32 s1, s0  }
0xbd: {  	s0 =	sadd.s32 $0x8F2B, s0  }
0xbe: {  	[sflag:s0] =	ssyncadd.remote.s32 $0x1  }
0xbf: {  	_ =	sfence.sel $0xFFFF  }
0xc0: {  	[dreg:$0x0] =	wrdreg $0xFFFFFFFF;
	(pc) =	sbr.abs _section_cstart, $3  }
0xc1: {  	[dreg:$0x1] =	wrdreg $0xFFFFFFFF  }
0xc2: {  	_ =	task.clear_ibuf [dreg:s7], $0x2FFFF;
	_ =	strace $0x9FFFFFFF  }
0xc3: {  	(tm) =	ssettm $0x7FFFFFFF  }
tec
execute0_lowered:
.L_overlay_start_1:
0x0: {  	(tag) =	ssettag $0x1  }
0x1: {  	s1 =	rddreg [dreg:$0x0]  }
0x2: {  	s0 =	srdreg.scid;
	s5 =	rddreg [dreg:$0x1]  }
0x3: {  	s11 =	stileid.u32;
	s3 =	rddreg [dreg:$0x2]  }
0x4: {  	s4 =	simm.s32 $0x0;
	s12 =	simm.s32 $0x2780;
	s14 =	simm.s32 $0x1  }
0x5: {  	s15 =	simm.s32 $0x28;
	s16 =	simm.s32 $0x4F00;
	s17 =	simm.s32 $0x6300  }
0x6: {  	s19 =	simm.s32 $0x7700;
	s20 =	simm.s32 $0x6;
	s22 =	simm.s32 $0x8B00  }
0x7: {  	s29 =	simm.s32 $0x3;
	s31 =	simm.s32 $0x7;
	s21 =	simm.s32 $0x8  }
0x8: {  	s30 =	simm.s32 $0x9;
	s28 =	simm.s32 $0x0;
	s6 =	smul.u32 $0x14000, s11  }
0x9: {  	s0 =	sand.u32 $0x1, s0;
	s2 =	sshll.u32 s11, $0x1;
	s9 =	smul.u32 $0x50000, s11  }
0xa: {  	[smem:$0x7FF] =	sst s4;
	s2 =	sor.u32 s0, s2;
	s7 =	smul.u32 $0x140000, s0  }
0xb: {  	_ =	strace $0x8000004A;
	s0 =	ssub.s32 $0x2, s0;
	s2 =	smul.u32 $0x4E2, s2  }
0xc: {  	s8 =	sshrl.u32 s6, $0x3;
	s24 =	sshrl.u32 s0, $0x1;
	s26 =	sshrl.u32 s9, $0x2  }
0xd: {  	s8 =	sadd.s32 s8, s5;
	s6 =	sadd.s32 s6, s7;
	s0 =	ssub.s32 s0, s24  }
0xe: {  	s7 =	sshll.u32 s11, $0x6;
	s24 =	simm.s32 $0x9F00;
	s2 =	sadd.s32 s2, s5  }
0xf: {  	s6 =	sshrl.u32 s6, $0x3;
	s8 =	sadd.s32 $0x16200, s8;
	s9 =	sor.u32 $0x1C06, s7  }
0x10: {  	s11 =	smax.u32 s0, $0x1;
	s0 =	simm.s32 $0x4;
	s10 =	sadd.s32 s6, s5  }
0x11: {  	s25 =	sadd.s32 $0xBC00, s2;
	s6 =	sadd.s32 $0x1E00, s2;
	s2 =	sadd.s32 s26, s3  }
0x12: {  	s26 =	simm.s32 $0x5;
	[dreg:$0x4] =	wrdreg s25;
	s10 =	sadd.s32 $0x3E200, s10  }
0x13: {  	s13 =	sshrl.u32 s2, $0x3;
	s25 =	simm.s32 $0x2;
	s2 =	simm.s32 $0xA  }
.LBB2_1:
0x14: {  	s5 =	rddreg [dreg:$0x4]  }
0x15: {  	[tilespmem:s4], [sflag:$0x1] =	stream.linear.gather [hbm4b:s5+s4], $0x2710, $0x38;
	[tilespmem:$0x1F300] =	vst v63  }
0x16: {  	_ = 	snop  }
0x17: {  	[tilespmem:s12], [sflag:$0x1] =	stream.linear.gather [hbm4b:s6+s4], $0x2710, $0x38;
	[tilespmem:$0x1F300] =	vst v63  }
0x18: {  	[spmem:s13], [sflag:s9] =	dma.local [hbm:s8], $0x2800  }
0x19: {  	_ =	swait.ge [sflag:s14], $0x2710  }
0x1a: {  	[sflag:s14] =	ssyncset.done $0x0  }
0x1b: {  	[sflag:s14] =	ssyncadd.s32 $0xFFFFD8F0  }
0x1c: {  	_ =	swait.ge [sflag:s14], $0x2710  }
0x1d: {  	[sflag:s14] =	ssyncset.done $0x0  }
0x1e: {  	[sflag:s14] =	ssyncadd.s32 $0xFFFFD8F0  }
0x1f: {  	[tilespmem:s16], [sflag:$0x1] =	stream.indirect.gather [hbm4b:s1+s15], $0x80, s4, s15, $0xb8;
	[tilespmem:$0x1F300] =	vst v63  }
0x20: {  	_ = 	snop  }
0x21: {  	[tilespmem:s17], [sflag:$0x2] =	stream.indirect.gather [hbm4b:s1+s15], $0x80, s15, s15, $0xb8;
	[tilespmem:$0x1F300] =	vst v63  }
0x22: {  	s18 =	simm.s32 $0x50  }
0x23: {  	[tilespmem:s19], [sflag:$0x3] =	stream.indirect.gather [hbm4b:s1+s15], $0x80, s18, s15, $0xb8;
	[tilespmem:$0x1F300] =	vst v63  }
0x24: {  	_ =	swait.ge [sflag:s20], $0x2800  }
0x25: {  	[sflag:s20] =	ssyncset.done $0x0  }
0x26: {  	[sflag:s20] =	ssyncadd.s32 $0xFFFFD800  }
0x27: {  	s23 =	simm.s32 $0x78;
	[bflag:$0x0] =	sbarrier.arrive $0xFFFF  }
0x28: {  	[tilespmem:s22], [sflag:$0x4] =	stream.indirect.gather [hbm4b:s1+s15], $0x80, s23, s15, $0xb8;
	[tilespmem:$0x1F300] =	vst v63  }
0x29: {  	_ =	swait.ge [sflag:s14], $0x1400  }
0x2a: {  	[sflag:s14] =	ssyncset.done $0x0  }
0x2b: {  	[sflag:s14] =	ssyncadd.s32 $0xFFFFEC00  }
0x2c: {  	[spmem:s3] =	stream.indirect.scatter.add.f32 [tilespmem:s16], [sflag:$0x6], $0x80, s12, s15, $0xb8;
	[tilespmem:$0x1F300] =	vst v63  }
0x2d: {  	s18 =	simm.s32 $0xA0  }
0x2e: {  	[tilespmem:s24], [sflag:$0x5] =	stream.indirect.gather [hbm4b:s1+s15], $0x80, s18, s15, $0xb8;
	[tilespmem:$0x1F300] =	vst v63  }
0x2f: {  	_ =	swait.ge [sflag:s25], $0x1400  }
0x30: {  	[sflag:s25] =	ssyncset.done $0x0  }
0x31: {  	s23 =	simm.s32 $0x27A8;
	[sflag:s25] =	ssyncadd.s32 $0xFFFFEC00  }
0x32: {  	[spmem:s3] =	stream.indirect.scatter.add.f32 [tilespmem:s17], [sflag:$0x7], $0x80, s23, s15, $0xb8;
	[tilespmem:$0x1F300] =	vst v63  }
0x33: {  	_ =	swait.ge [sflag:s20], $0x1400  }
0x34: {  	[sflag:s20] =	ssyncset.done $0x0  }
0x35: {  	s18 =	simm.s32 $0xC8;
	[sflag:s20] =	ssyncadd.s32 $0xFFFFEC00  }
0x36: {  	[tilespmem:s16], [sflag:$0x1] =	stream.indirect.gather [hbm4b:s1+s15], $0x80, s18, s15, $0xb8;
	[tilespmem:$0x1F300] =	vst v63  }
0x37: {  	_ =	swait.ge [sflag:s29], $0x1400  }
0x38: {  	[sflag:s29] =	ssyncset.done $0x0  }
0x39: {  	s23 =	simm.s32 $0x27D0;
	[sflag:s29] =	ssyncadd.s32 $0xFFFFEC00  }
0x3a: {  	[spmem:s3] =	stream.indirect.scatter.add.f32 [tilespmem:s19], [sflag:$0x8], $0x80, s23, s15, $0xb8;
	[tilespmem:$0x1F300] =	vst v63  }
0x3b: {  	_ =	swait.ge [sflag:s31], $0x1400  }
0x3c: {  	[sflag:s31] =	ssyncset.done $0x0  }
0x3d: {  	s18 =	simm.s32 $0xF0;
	[sflag:s31] =	ssyncadd.s32 $0xFFFFEC00  }
0x3e: {  	[tilespmem:s17], [sflag:$0x2] =	stream.indirect.gather [hbm4b:s1+s15], $0x80, s18, s15, $0xb8;
	[tilespmem:$0x1F300] =	vst v63  }
0x3f: {  	_ =	swait.ge [sflag:s0], $0x1400  }
0x40: {  	[sflag:s0] =	ssyncset.done $0x0  }
0x41: {  	s23 =	simm.s32 $0x27F8;
	[sflag:s0] =	ssyncadd.s32 $0xFFFFEC00  }
0x42: {  	[spmem:s3] =	stream.indirect.scatter.add.f32 [tilespmem:s22], [sflag:$0x9], $0x80, s23, s15, $0xb8;
	[tilespmem:$0x1F300] =	vst v63  }
0x43: {  	_ =	swait.ge [sflag:s21], $0x1400  }
0x44: {  	[sflag:s21] =	ssyncset.done $0x0  }
0x45: {  	s18 =	simm.s32 $0x118;
	[sflag:s21] =	ssyncadd.s32 $0xFFFFEC00  }
0x46: {  	[tilespmem:s19], [sflag:$0x3] =	stream.indirect.gather [hbm4b:s1+s15], $0x80, s18, s15, $0xb8;
	[tilespmem:$0x1F300] =	vst v63  }
0x47: {  	_ =	swait.ge [sflag:s26], $0x1400  }
0x48: {  	[sflag:s26] =	ssyncset.done $0x0  }
0x49: {  	s23 =	simm.s32 $0x2820;
	[sflag:s26] =	ssyncadd.s32 $0xFFFFEC00  }
0x4a: {  	[spmem:s3] =	stream.indirect.scatter.add.f32 [tilespmem:s24], [sflag:$0xA], $0x80, s23, s15, $0xb8;
	[tilespmem:$0x1F300] =	vst v63  }
0x4b: {  	_ =	swait.ge [sflag:s30], $0x1400  }
0x4c: {  	[sflag:s30] =	ssyncset.done $0x0  }
0x4d: {  	s18 =	simm.s32 $0x140;
	[sflag:s30] =	ssyncadd.s32 $0xFFFFEC00  }
0x4e: {  	[tilespmem:s22], [sflag:$0x4] =	stream.indirect.gather [hbm4b:s1+s15], $0x80, s18, s15, $0xb8;
	[tilespmem:$0x1F300] =	vst v63  }
0x4f: {  	_ =	swait.ge [sflag:s14], $0x1400  }
0x50: {  	[sflag:s14] =	ssyncset.done $0x0  }
0x51: {  	s5 =	simm.s32 $0x2848;
	[sflag:s14] =	ssyncadd.s32 $0xFFFFEC00  }
0x52: {  	[spmem:s3] =	stream.indirect.scatter.add.f32 [tilespmem:s16], [sflag:$0x6], $0x80, s5, s15, $0xb8;
	[tilespmem:$0x1F300] =	vst v63  }
0x53: {  	_ =	swait.ge [sflag:s2], $0x1400  }
0x54: {  	[sflag:s2] =	ssyncset.done $0x0  }
0x55: {  	s23 =	simm.s32 $0x168;
	[sflag:s2] =	ssyncadd.s32 $0xFFFFEC00  }
0x56: {  	[tilespmem:s24], [sflag:$0x5] =	stream.indirect.gather [hbm4b:s1+s15], $0x80, s23, s15, $0xb8;
	[tilespmem:$0x1F300] =	vst v63  }
0x57: {  	_ =	swait.ge [sflag:s25], $0x1400  }
0x58: {  	[sflag:s25] =	ssyncset.done $0x0  }
0x59: {  	s5 =	simm.s32 $0x2870;
	[sflag:s25] =	ssyncadd.s32 $0xFFFFEC00  }
0x5a: {  	[spmem:s3] =	stream.indirect.scatter.add.f32 [tilespmem:s17], [sflag:$0x7], $0x80, s5, s15, $0xb8;
	[tilespmem:$0x1F300] =	vst v63  }
0x5b: {  	_ =	swait.ge [sflag:s20], $0x1400  }
0x5c: {  	[sflag:s20] =	ssyncset.done $0x0  }
0x5d: {  	s23 =	simm.s32 $0x190;
	[sflag:s20] =	ssyncadd.s32 $0xFFFFEC00  }
0x5e: {  	[tilespmem:s16], [sflag:$0x1] =	stream.indirect.gather [hbm4b:s1+s15], $0x80, s23, s15, $0xb8;
	[tilespmem:$0x1F300] =	vst v63  }
0x5f: {  	_ =	swait.ge [sflag:s29], $0x1400  }
0x60: {  	[sflag:s29] =	ssyncset.done $0x0  }
0x61: {  	s5 =	simm.s32 $0x2898;
	[sflag:s29] =	ssyncadd.s32 $0xFFFFEC00  }
0x62: {  	[spmem:s3] =	stream.indirect.scatter.add.f32 [tilespmem:s19], [sflag:$0x8], $0x80, s5, s15, $0xb8;
	[tilespmem:$0x1F300] =	vst v63  }
0x63: {  	_ =	swait.ge [sflag:s31], $0x1400  }
0x64: {  	[sflag:s31] =	ssyncset.done $0x0  }
0x65: {  	s23 =	simm.s32 $0x1B8;
	[sflag:s31] =	ssyncadd.s32 $0xFFFFEC00  }
0x66: {  	[tilespmem:s17], [sflag:$0x2] =	stream.indirect.gather [hbm4b:s1+s15], $0x80, s23, s15, $0xb8;
	[tilespmem:$0x1F300] =	vst v63  }
0x67: {  	_ =	swait.ge [sflag:s0], $0x1400  }
0x68: {  	[sflag:s0] =	ssyncset.done $0x0  }
0x69: {  	s5 =	simm.s32 $0x28C0;
	[sflag:s0] =	ssyncadd.s32 $0xFFFFEC00  }
0x6a: {  	[spmem:s3] =	stream.indirect.scatter.add.f32 [tilespmem:s22], [sflag:$0x9], $0x80, s5, s15, $0xb8;
	[tilespmem:$0x1F300] =	vst v63  }
0x6b: {  	_ =	swait.ge [sflag:s21], $0x1400  }
0x6c: {  	[sflag:s21] =	ssyncset.done $0x0  }
0x6d: {  	s23 =	simm.s32 $0x1E0;
	[sflag:s21] =	ssyncadd.s32 $0xFFFFEC00  }
0x6e: {  	[tilespmem:s19], [sflag:$0x3] =	stream.indirect.gather [hbm4b:s1+s15], $0x80, s23, s15, $0xb8;
	[tilespmem:$0x1F300] =	vst v63  }
0x6f: {  	_ =	swait.ge [sflag:s26], $0x1400  }
0x70: {  	[sflag:s26] =	ssyncset.done $0x0  }
0x71: {  	s18 =	simm.s32 $0x320;
	s23 =	simm.s32 $0x28E8;
	[sflag:s26] =	ssyncadd.s32 $0xFFFFEC00  }
.LBB2_2:
0x72: {  	[spmem:s3] =	stream.indirect.scatter.add.f32 [tilespmem:s24], [sflag:$0xA], $0x80, s23, s15, $0xb8;
	[tilespmem:$0x1F300] =	vst v63  }
0x73: {  	s23 =	smov.u32 s18;
	s18 =	sadd.s32 $0x320, s18;
	_ =	swait.ge [sflag:s30], $0x1400  }
0x74: {  	s23 =	sshra.s32 s23, $0x2;
	p0 =	sne.s32 s18, $0x9600;
	[sflag:s30] =	ssyncset.done $0x0  }
0x75: {  	s5 =	sadd.s32 $0x140, s23;
	[sflag:s30] =	ssyncadd.s32 $0xFFFFEC00  }
0x76: {  	[tilespmem:s22], [sflag:$0x4] =	stream.indirect.gather [hbm4b:s1+s15], $0x80, s5, s15, $0xb8;
	[tilespmem:$0x1F300] =	vst v63  }
0x77: {  	_ =	swait.ge [sflag:s14], $0x1400  }
0x78: {  	[sflag:s14] =	ssyncset.done $0x0  }
0x79: {  	s5 =	sadd.s32 $0x2848, s23;
	[sflag:s14] =	ssyncadd.s32 $0xFFFFEC00  }
0x7a: {  	[spmem:s3] =	stream.indirect.scatter.add.f32 [tilespmem:s16], [sflag:$0x6], $0x80, s5, s15, $0xb8;
	[tilespmem:$0x1F300] =	vst v63  }
0x7b: {  	_ =	swait.ge [sflag:s2], $0x1400  }
0x7c: {  	[sflag:s2] =	ssyncset.done $0x0  }
0x7d: {  	s5 =	sadd.s32 $0x168, s23;
	[sflag:s2] =	ssyncadd.s32 $0xFFFFEC00  }
0x7e: {  	[tilespmem:s24], [sflag:$0x5] =	stream.indirect.gather [hbm4b:s1+s15], $0x80, s5, s15, $0xb8;
	[tilespmem:$0x1F300] =	vst v63  }
0x7f: {  	_ =	swait.ge [sflag:s25], $0x1400  }
0x80: {  	[sflag:s25] =	ssyncset.done $0x0  }
0x81: {  	s5 =	sadd.s32 $0x2870, s23;
	[sflag:s25] =	ssyncadd.s32 $0xFFFFEC00  }
0x82: {  	[spmem:s3] =	stream.indirect.scatter.add.f32 [tilespmem:s17], [sflag:$0x7], $0x80, s5, s15, $0xb8;
	[tilespmem:$0x1F300] =	vst v63  }
0x83: {  	_ =	swait.ge [sflag:s20], $0x1400  }
0x84: {  	[sflag:s20] =	ssyncset.done $0x0  }
0x85: {  	s5 =	sadd.s32 $0x190, s23;
	[sflag:s20] =	ssyncadd.s32 $0xFFFFEC00  }
0x86: {  	[tilespmem:s16], [sflag:$0x1] =	stream.indirect.gather [hbm4b:s1+s15], $0x80, s5, s15, $0xb8;
	[tilespmem:$0x1F300] =	vst v63  }
0x87: {  	_ =	swait.ge [sflag:s29], $0x1400  }
0x88: {  	[sflag:s29] =	ssyncset.done $0x0  }
0x89: {  	s5 =	sadd.s32 $0x2898, s23;
	[sflag:s29] =	ssyncadd.s32 $0xFFFFEC00  }
0x8a: {  	[spmem:s3] =	stream.indirect.scatter.add.f32 [tilespmem:s19], [sflag:$0x8], $0x80, s5, s15, $0xb8;
	[tilespmem:$0x1F300] =	vst v63  }
0x8b: {  	_ =	swait.ge [sflag:s31], $0x1400  }
0x8c: {  	[sflag:s31] =	ssyncset.done $0x0  }
0x8d: {  	s5 =	sadd.s32 $0x1B8, s23;
	[sflag:s31] =	ssyncadd.s32 $0xFFFFEC00  }
0x8e: {  	[tilespmem:s17], [sflag:$0x2] =	stream.indirect.gather [hbm4b:s1+s15], $0x80, s5, s15, $0xb8;
	[tilespmem:$0x1F300] =	vst v63  }
0x8f: {  	_ =	swait.ge [sflag:s0], $0x1400  }
0x90: {  	[sflag:s0] =	ssyncset.done $0x0  }
0x91: {  	s5 =	sadd.s32 $0x28C0, s23;
	[sflag:s0] =	ssyncadd.s32 $0xFFFFEC00  }
0x92: {  	[spmem:s3] =	stream.indirect.scatter.add.f32 [tilespmem:s22], [sflag:$0x9], $0x80, s5, s15, $0xb8;
	[tilespmem:$0x1F300] =	vst v63  }
0x93: {  	_ =	swait.ge [sflag:s21], $0x1400  }
0x94: {  	[sflag:s21] =	ssyncset.done $0x0  }
.Ltmp0:
0x95: {  	s5 =	sadd.s32 $0x1E0, s23;
	[sflag:s21] =	ssyncadd.s32 $0xFFFFEC00;
	(pc) =	sbr.rel @p0 .LBB2_2-.Ltmp0, $4  }
0x96: {  	[tilespmem:s19], [sflag:$0x3] =	stream.indirect.gather [hbm4b:s1+s15], $0x80, s5, s15, $0xb8;
	[tilespmem:$0x1F300] =	vst v63  }
0x97: {  	_ =	swait.ge [sflag:s26], $0x1400  }
0x98: {  	[sflag:s26] =	ssyncset.done $0x0  }
0x99: {  	s23 =	sadd.s32 $0x28E8, s23;
	[sflag:s26] =	ssyncadd.s32 $0xFFFFEC00  }
0x9a: {  	[spmem:s3] =	stream.indirect.scatter.add.f32 [tilespmem:s24], [sflag:$0xA], $0x80, s23, s15, $0xb8;
	[tilespmem:$0x1F300] =	vst v63  }
0x9b: {  	_ =	swait.ge [sflag:s30], $0x1400  }
0x9c: {  	s5 =	sshra.s32 s18, $0x2;
	[sflag:s30] =	ssyncset.done $0x0  }
0x9d: {  	s18 =	sadd.s32 $0x140, s5;
	[sflag:s30] =	ssyncadd.s32 $0xFFFFEC00  }
0x9e: {  	[tilespmem:s22], [sflag:$0x4] =	stream.indirect.gather [hbm4b:s1+s15], $0x80, s18, s15, $0xb8;
	[tilespmem:$0x1F300] =	vst v63  }
0x9f: {  	_ =	swait.ge [sflag:s14], $0x1400  }
0xa0: {  	[sflag:s14] =	ssyncset.done $0x0  }
0xa1: {  	s23 =	sadd.s32 $0x2848, s5;
	[sflag:s14] =	ssyncadd.s32 $0xFFFFEC00  }
0xa2: {  	[spmem:s3] =	stream.indirect.scatter.add.f32 [tilespmem:s16], [sflag:$0x6], $0x80, s23, s15, $0xb8;
	[tilespmem:$0x1F300] =	vst v63  }
0xa3: {  	_ =	swait.ge [sflag:s2], $0x1400  }
0xa4: {  	[sflag:s2] =	ssyncset.done $0x0  }
0xa5: {  	s23 =	simm.s32 $0x26E8;
	[sflag:s2] =	ssyncadd.s32 $0xFFFFEC00  }
0xa6: {  	[tilespmem:s24], [sflag:$0x5] =	stream.indirect.gather [hbm4b:s1+s15], $0x80, s23, s15, $0xb8;
	[tilespmem:$0x1F300] =	vst v63  }
0xa7: {  	_ =	swait.ge [sflag:s25], $0x1400  }
0xa8: {  	[sflag:s25] =	ssyncset.done $0x0  }
0xa9: {  	s23 =	sadd.s32 $0x2870, s5;
	[sflag:s25] =	ssyncadd.s32 $0xFFFFEC00  }
0xaa: {  	[spmem:s3] =	stream.indirect.scatter.add.f32 [tilespmem:s17], [sflag:$0x7], $0x80, s23, s15, $0xb8;
	[tilespmem:$0x1F300] =	vst v63  }
0xab: {  	_ =	swait.ge [sflag:s20], $0x1400  }
0xac: {  	[sflag:s20] =	ssyncset.done $0x0  }
0xad: {  	[sflag:s20] =	ssyncadd.s32 $0xFFFFEC00  }
0xae: {  	_ =	swait.ge [sflag:s29], $0x1400  }
0xaf: {  	[sflag:s29] =	ssyncset.done $0x0  }
0xb0: {  	s23 =	sadd.s32 $0x2898, s5;
	[sflag:s29] =	ssyncadd.s32 $0xFFFFEC00  }
0xb1: {  	[spmem:s3] =	stream.indirect.scatter.add.f32 [tilespmem:s19], [sflag:$0x8], $0x80, s23, s15, $0xb8;
	[tilespmem:$0x1F300] =	vst v63  }
0xb2: {  	_ =	swait.ge [sflag:s31], $0x1400  }
0xb3: {  	[sflag:s31] =	ssyncset.done $0x0  }
0xb4: {  	[sflag:s31] =	ssyncadd.s32 $0xFFFFEC00  }
0xb5: {  	_ =	swait.ge [sflag:s0], $0x1400  }
0xb6: {  	[sflag:s0] =	ssyncset.done $0x0  }
0xb7: {  	s5 =	sadd.s32 $0x28C0, s5;
	[sflag:s0] =	ssyncadd.s32 $0xFFFFEC00  }
0xb8: {  	[spmem:s3] =	stream.indirect.scatter.add.f32 [tilespmem:s22], [sflag:$0x9], $0x80, s5, s15, $0xb8;
	[tilespmem:$0x1F300] =	vst v63  }
0xb9: {  	_ =	swait.ge [sflag:s21], $0x1400  }
0xba: {  	[sflag:s21] =	ssyncset.done $0x0  }
0xbb: {  	[sflag:s21] =	ssyncadd.s32 $0xFFFFEC00  }
0xbc: {  	_ =	swait.ge [sflag:s26], $0x1400  }
0xbd: {  	[sflag:s26] =	ssyncset.done $0x0  }
0xbe: {  	s18 =	simm.s32 $0x4E68;
	[sflag:s26] =	ssyncadd.s32 $0xFFFFEC00  }
0xbf: {  	[spmem:s3] =	stream.indirect.scatter.add.f32 [tilespmem:s24], [sflag:$0xA], $0x80, s18, s15, $0xb8;
	[tilespmem:$0x1F300] =	vst v63  }
0xc0: {  	_ =	swait.ge [sflag:s30], $0x1400  }
0xc1: {  	[sflag:s30] =	ssyncset.done $0x0  }
0xc2: {  	[sflag:s30] =	ssyncadd.s32 $0xFFFFEC00  }
0xc3: {  	_ =	swait.ge [sflag:s2], $0x1400  }
0xc4: {  	s28 =	sadd.s32 $0x1, s28;
	[sflag:s2] =	ssyncset.done $0x0  }
0xc5: {  	p0 =	sne.s32 s28, s11;
	[sflag:s2] =	ssyncadd.s32 $0xFFFFEC00  }
.Ltmp1:
0xc6: {  	s23 =	sor.u32 $0x1C01, s7;
	[bflag:$0x0] =	sbarrier.arrive $0xFFFF;
	(pc) =	sbr.rel @p0 .LBB2_1-.Ltmp1, $4  }
0xc7: {  	[hbm:s10], [sflag:s23] =	dma.local [spmem:s13], $0x2800  }
0xc8: {  	_ =	swait.ge [sflag:s14], $0x2800  }
0xc9: {  	[sflag:s14] =	ssyncset.done $0x0  }
0xca: {  	[sflag:s14] =	ssyncadd.s32 $0xFFFFD800  }
0xcb: {  	_ =	sfence.sel $0x180000  }
0xcc: {  	[bflag:$0x0] =	sbarrier.arrive $0xFFFF  }
0xcd: {  	_ =	strace $0x9000004A  }
0xce: {  	s0 =	stileid.u32;
	[bflag:$0x2] =	sbarrier.arrive $0xFFFF  }
0xcf: {  	p0 =	sne.s32 s0, $0x0;
	s0 =	rddreg [dreg:$0x3]  }
0xd0: {  	s0 =	sadd.s32 @!p0 $0x100000, s0  }
0xd1: {  	[sflag:s0] =	ssyncadd.tile.s32 @!p0 $0x1;
	_ =	shalt  }
.Lfunc_end2:
_tile_overlayer_lowered:
.L_overlay_start_2:
0xd2: {  	(tag) =	ssettag $0x2  }
0xd3: {  	s0 =	rddreg [dreg:$0x0];
	s2 =	stileid.u32  }
0xd4: {  	s1 =	rddreg [dreg:$0x1];
	p0 =	sne.s32 s2, $0x0  }
0xd5: {  	s3 =	rddreg [dreg:$0x2];
	[bflag:$0x3] =	sbarrier.arrive $0xFFFF;
	s2 =	simm.s32 @!p0 $0x1C0B  }
0xd6: {  	[timem:s3], [sflag:s2] =	dma.local @!p0 [hbm:s0], s1  }
0xd7: {  	s0 =	simm.s32 @!p0 $0xB  }
0xd8: {  	_ =	swait.ge @!p0 [sflag:s0], s1  }
0xd9: {  	s1 =	ssub.s32 @!p0 $0x0, s1;
	[sflag:s0] =	ssyncset.done @!p0 $0x0  }
0xda: {  	[sflag:s0] =	ssyncadd.s32 @!p0 s1  }
0xdb: {  	[bflag:$0x3] =	sbarrier.arrive $0xFFFF  }
0xdc: {  	_ =	shalt  }

</sc_bundles>
